<compile_context>
chip_gen: v7x
topology: tpu7x:2x2x1
jax: 0.10.2.dev20260603
libtpu: 0.0.44.dev20260713+nightly
codegen_flags: <defaults>
</compile_context>

<pallas_src>
import functools

import jax
import jax.numpy as jnp
from jax import lax
from jax.experimental import pallas as pl
from jax.experimental.pallas import tpu as pltpu
from jax.experimental.pallas import tpu_sc as plsc

N = 10000
NP = 10240
E = 320000
EP = 327680
D = 128
B = 64
NC = 2
NS = 16
NW = NC * NS
CPT = D // NW
CE = 2048
NCHUNK = EP // CE
NPAIR = NCHUNK // 2
DCH = 128
DCHUNKS = EP // (NW * DCH)
RPT = NP // NS
BLK = 512
NBLK = NP // BLK


def _sc_mesh():
    return plsc.VectorSubcoreMesh(core_axis_name="c", subcore_axis_name="s")


@functools.partial(
    pl.kernel,
    out_type=(jax.ShapeDtypeStruct((NP,), jnp.float32),
              jax.ShapeDtypeStruct((NP,), jnp.float32)),
    mesh=_sc_mesh(),
    scratch_types=[
        pltpu.VMEM((DCHUNKS, DCH), jnp.int32),
        pltpu.VMEM((DCH,), jnp.float32),
        pltpu.VMEM_SHARED((NP,), jnp.float32),
    ],
)
def _sc_degree(dst_hbm, zrow_hbm, ones_hbm, out0, out1, dst_v, ones_v, acc_sh):
    c = lax.axis_index("c")
    s = lax.axis_index("s")
    wid = c * NS + s
    pltpu.sync_copy(dst_hbm.at[wid], dst_v)
    pltpu.sync_copy(ones_hbm, ones_v)
    pltpu.sync_copy(zrow_hbm, acc_sh.at[pl.ds(s * RPT, RPT)])
    plsc.subcore_barrier()

    def body(j, carry):
        pltpu.sync_copy(ones_v, acc_sh.at[dst_v.at[j]], add=True)
        return carry

    lax.fori_loop(0, DCHUNKS, body, 0)
    plsc.subcore_barrier()

    @pl.when(c == 0)
    def _():
        pltpu.sync_copy(acc_sh.at[pl.ds(s * RPT, RPT)],
                        out0.at[pl.ds(s * RPT, RPT)])

    @pl.when(c == 1)
    def _():
        pltpu.sync_copy(acc_sh.at[pl.ds(s * RPT, RPT)],
                        out1.at[pl.ds(s * RPT, RPT)])


@functools.partial(
    pl.kernel,
    out_type=jax.ShapeDtypeStruct((D * NP,), jnp.float32),
    mesh=_sc_mesh(),
    compiler_params=pltpu.CompilerParams(needs_layout_passes=False),
    scratch_types=[
        pltpu.VMEM((CPT * NP,), jnp.float32),
        pltpu.VMEM((CPT * NP,), jnp.float32),
        pltpu.VMEM((CE,), jnp.int32),
        pltpu.VMEM((CE,), jnp.int32),
        pltpu.SemaphoreType.DMA,
        pltpu.SemaphoreType.DMA,
    ],
)
def _sc_aggregate(hsT_hbm, pk_hbm, outT, tbl, acc, pb0, pb1, s0, s1):
    c = lax.axis_index("c")
    s = lax.axis_index("s")
    wid = c * NS + s
    base = wid * (CPT * NP)
    pltpu.sync_copy(hsT_hbm.at[pl.ds(base, CPT * NP)], tbl)
    pltpu.sync_copy(hsT_hbm.at[pl.ds(base, CPT * NP)], acc)
    pltpu.async_copy(pk_hbm.at[pl.ds(0, CE)], pb0, s0)
    pltpu.async_copy(pk_hbm.at[pl.ds(CE, CE)], pb1, s1)

    def process(buf):
        def ebody(k, carry):
            for h in range(4):
                pk16 = buf[pl.ds(k * 64 + h * 16, 16)]
                s16 = lax.bitwise_and(pk16, 16383)
                d16 = lax.shift_right_logical(pk16, 14)
                for j in range(CPT):
                    g = plsc.load_gather(tbl, [s16 + j * NP])
                    plsc.addupdate_scatter(acc, [d16 + j * NP], g)
            return carry

        lax.fori_loop(0, CE // 64, ebody, 0)

    def pair(gi, carry):
        a = 2 * gi
        pltpu.make_async_copy(pk_hbm.at[pl.ds(0, CE)], pb0, s0).wait()
        process(pb0)

        @pl.when(gi < NPAIR - 1)
        def _():
            pltpu.async_copy(pk_hbm.at[pl.ds((a + 2) * CE, CE)], pb0, s0)

        pltpu.make_async_copy(pk_hbm.at[pl.ds(0, CE)], pb1, s1).wait()
        process(pb1)

        @pl.when(gi < NPAIR - 1)
        def _():
            pltpu.async_copy(pk_hbm.at[pl.ds((a + 3) * CE, CE)], pb1, s1)

        return carry

    lax.fori_loop(0, NPAIR, pair, 0)
    pltpu.sync_copy(acc, outT.at[pl.ds(base, CPT * NP)])


def _prep1_body(x_ref, w1_ref, d0_ref, d1_ref, hsT_ref, dinv_ref):
    deg = d0_ref[...] + d1_ref[...] + 1.0
    dinv = lax.rsqrt(deg)
    h1T = lax.dot_general(w1_ref[...], x_ref[...], (((1,), (1,)), ((), ())),
                          preferred_element_type=jnp.float32)
    hsT_ref[...] = h1T * dinv
    dinv_ref[...] = dinv


def _mid_body(accT_ref, dinv_ref, b_ref, w_ref, out_ref):
    dinv = dinv_ref[...]
    z = dinv * accT_ref[...] + b_ref[...]
    z = jnp.where(z >= 0, z, 0.01 * z)
    h2T = lax.dot_general(w_ref[...], z, (((1,), (0,)), ((), ())),
                          preferred_element_type=jnp.float32)
    out_ref[...] = h2T * dinv


def _final_body(accT_ref, dinv_ref, b_ref, batch_ref, wfc_ref, bfc_ref,
                out_ref, poolT_acc, cnt_acc):
    i = pl.program_id(0)
    z = dinv_ref[...] * accT_ref[...] + b_ref[...]
    z = jnp.where(z >= 0, z, 0.01 * z)
    oh = (batch_ref[...] == lax.broadcasted_iota(jnp.int32, (B, BLK), 0)
          ).astype(jnp.float32)
    p = lax.dot_general(z, oh, (((1,), (1,)), ((), ())),
                        preferred_element_type=jnp.float32)
    cnt = lax.dot_general(jnp.ones((1, BLK), jnp.float32), oh,
                          (((1,), (1,)), ((), ())),
                          preferred_element_type=jnp.float32)

    @pl.when(i == 0)
    def _():
        poolT_acc[...] = p
        cnt_acc[...] = cnt

    @pl.when(i > 0)
    def _():
        poolT_acc[...] += p
        cnt_acc[...] += cnt

    @pl.when(i == pl.num_programs(0) - 1)
    def _():
        pm = poolT_acc[...] / jnp.maximum(cnt_acc[...], 1.0)
        out_ref[...] = lax.dot_general(
            pm, wfc_ref[...], (((0,), (1,)), ((), ())),
            preferred_element_type=jnp.float32) + bfc_ref[...]


def _featT_spec():
    return pl.BlockSpec((D, BLK), lambda i: (0, i))


def _rowvec_spec():
    return pl.BlockSpec((1, BLK), lambda i: (0, i))


def _full_spec(shape):
    return pl.BlockSpec(shape, lambda i: tuple(0 for _ in shape))


def kernel(x, edge_index, batch, W1, b1, W2, b2, Wfc, bfc):
    f32 = jnp.float32
    src = edge_index[0].astype(jnp.int32)
    dst = edge_index[1].astype(jnp.int32)
    pad_e = EP - E
    src_p = jnp.concatenate([src, jnp.zeros((pad_e,), jnp.int32)])
    dst_p = jnp.concatenate(
        [dst, (N + jnp.arange(pad_e, dtype=jnp.int32) % (NP - N))])
    pk = jnp.bitwise_or(jnp.left_shift(dst_p, 14), src_p)
    dst_t = dst_p.reshape(NW, DCHUNKS, DCH)
    x_p = jnp.pad(x, ((0, NP - N), (0, 0)))
    batch_p = jnp.pad(batch.astype(jnp.int32), (0, NP - N),
                      constant_values=B).reshape(1, NP)
    zrow = jnp.zeros((RPT,), f32)
    ones_ch = jnp.ones((DCH,), f32)

    deg0, deg1 = _sc_degree(dst_t, zrow, ones_ch)

    h1sT, dinvT = pl.pallas_call(
        _prep1_body,
        grid=(NBLK,),
        in_specs=[pl.BlockSpec((BLK, D), lambda i: (i, 0)),
                  _full_spec((D, D)), _rowvec_spec(), _rowvec_spec()],
        out_specs=[_featT_spec(), _rowvec_spec()],
        out_shape=[jax.ShapeDtypeStruct((D, NP), f32),
                   jax.ShapeDtypeStruct((1, NP), f32)],
    )(x_p, W1, deg0.reshape(1, NP), deg1.reshape(1, NP))

    acc1T = _sc_aggregate(h1sT.reshape(D * NP), pk).reshape(D, NP)

    h2sT = pl.pallas_call(
        _mid_body,
        grid=(NBLK,),
        in_specs=[_featT_spec(), _rowvec_spec(),
                  _full_spec((D, 1)), _full_spec((D, D))],
        out_specs=_featT_spec(),
        out_shape=jax.ShapeDtypeStruct((D, NP), f32),
    )(acc1T, dinvT, b1.reshape(D, 1), W2)

    acc2T = _sc_aggregate(h2sT.reshape(D * NP), pk).reshape(D, NP)

    logits = pl.pallas_call(
        _final_body,
        grid=(NBLK,),
        in_specs=[_featT_spec(), _rowvec_spec(), _full_spec((D, 1)),
                  _rowvec_spec(), _full_spec((2, D)), _full_spec((1, 2))],
        out_specs=pl.BlockSpec((B, 2), lambda i: (0, 0)),
        out_shape=jax.ShapeDtypeStruct((B, 2), f32),
        scratch_shapes=[pltpu.VMEM((D, B), f32), pltpu.VMEM((1, B), f32)],
    )(acc2T, dinvT, b2.reshape(D, 1), batch_p, Wfc, bfc.reshape(1, 2))

    return logits

# --- scband reference (transcript-rebuilt; emitter-appended) ---
"""Pipeline reference for scband-gnnmodel-87385404605104 (READ-ONLY COPY).

The authoritative reference and input builder live on the scoring server;
editing this copy changes nothing except your own understanding.
"""

import jax, jax.numpy as jnp
import numpy as np

N = 10000
E = 320000
D_IN = 128
D_H = 128
D_OUT = 2
B = 64


def setup_inputs(seed: int = 0) -> dict:
    key = jax.random.key(seed)
    ks = jax.random.split(key, 9)
    x = jax.random.normal(ks[0], (N, D_IN), dtype=jnp.float32)
    edge_index = jax.random.randint(ks[1], (2, E), 0, N)
    batch = jnp.sort(jax.random.randint(ks[2], (N,), 0, B))
    W1 = jax.random.normal(ks[3], (D_H, D_IN), dtype=jnp.float32) * (1.0 / np.sqrt(D_IN))
    b1 = jnp.zeros((D_H,), dtype=jnp.float32)
    W2 = jax.random.normal(ks[4], (D_H, D_H), dtype=jnp.float32) * (1.0 / np.sqrt(D_H))
    b2 = jnp.zeros((D_H,), dtype=jnp.float32)
    Wfc = jax.random.normal(ks[5], (D_OUT, D_H), dtype=jnp.float32) * (1.0 / np.sqrt(D_H))
    bfc = jnp.zeros((D_OUT,), dtype=jnp.float32)
    return {"x": x, "edge_index": edge_index, "batch": batch, "W1": W1, "b1": b1, "W2": W2, "b2": b2, "Wfc": Wfc, "bfc": bfc}


def gcn_conv(x, edge_index, W, b):
    n = x.shape[0]
    src = edge_index[0]
    dst = edge_index[1]
    loop = jnp.arange(n, dtype=src.dtype)
    src = jnp.concatenate([src, loop])
    dst = jnp.concatenate([dst, loop])
    deg = jnp.zeros((n,), dtype=x.dtype).at[dst].add(1.0)
    dinv = jnp.where(deg > 0, 1.0 / jnp.sqrt(jnp.where(deg > 0, deg, 1.0)), 0.0)
    norm = dinv[src] * dinv[dst]
    h = x @ W.T
    msg = h[src] * norm[:, None]
    out = jnp.zeros((n, h.shape[1]), dtype=h.dtype).at[dst].add(msg)
    return out + b


def reference(x, edge_index, batch, W1, b1, W2, b2, Wfc, bfc):
    h = gcn_conv(x, edge_index, W1, b1)
    h = jax.nn.leaky_relu(h, negative_slope=0.01)
    # dropout is identity in eval mode
    h = gcn_conv(h, edge_index, W2, b2)
    h = jax.nn.leaky_relu(h, negative_slope=0.01)
    pooled_sum = jax.ops.segment_sum(h, batch, num_segments=B)
    counts = jax.ops.segment_sum(jnp.ones((h.shape[0],), dtype=h.dtype), batch, num_segments=B)
    pooled = pooled_sum / jnp.clip(counts, 1.0)[:, None]
    logits = pooled @ Wfc.T + bfc
    return logits

if __name__ == "__main__":
    import jax
    _d = setup_inputs()
    print(jax.jit(kernel)(*tuple(_d.values())))

</pallas_src>

<mosaic_0001>
#map = affine_map<(d0, d1) -> (0, 0, 0)>
#map1 = affine_map<(d0, d1) -> (0)>
module attributes {stable_mosaic.version = 14 : i64} {
  func.func @_sc_degree(%arg0: i32, %arg1: i32, %arg2: memref<32x80x128xi32, #tpu.memory_space<hbm>>, %arg3: memref<640xf32, #tpu.memory_space<hbm>>, %arg4: memref<128xf32, #tpu.memory_space<hbm>>, %arg5: memref<10240xf32, #tpu.memory_space<hbm>>, %arg6: memref<10240xf32, #tpu.memory_space<hbm>>, %arg7: memref<80x128xi32, #tpu.memory_space<vmem>>, %arg8: memref<128xf32, #tpu.memory_space<vmem>>, %arg9: memref<10240xf32, #tpu.memory_space<vmem_shared>>) attributes {dimension_semantics = [#tpu.dimension_semantics<core_parallel>, #tpu.dimension_semantics<subcore_parallel>], iteration_bounds = array<i64: 2, 16>, scalar_prefetch = 0 : i64, scratch_operands = 3 : i64, tpu.core_type = #tpu.core_type<sc_vector_subcore>, window_params = [{transform_indices = #map}, {transform_indices = #map1}, {transform_indices = #map1}, {transform_indices = #map1}, {transform_indices = #map1}]} {
    %mul3A = arith.constant 16 : i32
    %mul3A_0 = arith.muli %arg0, %mul3A : i32
    %add3A = arith.addi %mul3A_0, %arg1 : i32
    "tpu.region"() ({
      %run_scoped3A = tpu.sem_alloc : memref<!tpu.dma_semaphore, #tpu.memory_space<semaphore_mem>>
      %dma_start3A = arith.constant 0 : i32
      %dma_start3A_16 = arith.constant 0 : i32
      %dma_start3A_17 = tpu.memref_slice %arg2[%add3A, %dma_start3A, %dma_start3A_16] : memref<32x80x128xi32, #tpu.memory_space<hbm>> -> memref<1x80x128xi32, #tpu.memory_space<hbm>>
      %dma_start3A_18 = tpu.memref_squeeze %dma_start3A_17 : memref<1x80x128xi32, #tpu.memory_space<hbm>> -> memref<80x128xi32, #tpu.memory_space<hbm>>
      %dma_start3A_19 = arith.constant 0 : i32
      %dma_start3A_20 = arith.constant 0 : i32
      %dma_start3A_21 = tpu.memref_slice %arg2[%add3A, %dma_start3A_19, %dma_start3A_20] : memref<32x80x128xi32, #tpu.memory_space<hbm>> -> memref<1x80x128xi32, #tpu.memory_space<hbm>>
      %dma_start3A_22 = tpu.memref_squeeze %dma_start3A_21 : memref<1x80x128xi32, #tpu.memory_space<hbm>> -> memref<80x128xi32, #tpu.memory_space<hbm>>
      tpu.enqueue_dma source(%dma_start3A_22 : memref<80x128xi32, #tpu.memory_space<hbm>>) target(%arg7 : memref<80x128xi32, #tpu.memory_space<vmem>>) target_semaphore(%run_scoped3A : memref<!tpu.dma_semaphore, #tpu.memory_space<semaphore_mem>>)
      %dma_wait3A = arith.constant 0 : i32
      %dma_wait3A_23 = arith.constant 0 : i32
      %dma_wait3A_24 = tpu.memref_slice %arg2[%add3A, %dma_wait3A, %dma_wait3A_23] : memref<32x80x128xi32, #tpu.memory_space<hbm>> -> memref<1x80x128xi32, #tpu.memory_space<hbm>>
      %dma_wait3A_25 = tpu.memref_squeeze %dma_wait3A_24 : memref<1x80x128xi32, #tpu.memory_space<hbm>> -> memref<80x128xi32, #tpu.memory_space<hbm>>
      %dma_wait3A_26 = arith.constant 0 : i32
      %dma_wait3A_27 = arith.constant 0 : i32
      %dma_wait3A_28 = tpu.memref_slice %arg2[%add3A, %dma_wait3A_26, %dma_wait3A_27] : memref<32x80x128xi32, #tpu.memory_space<hbm>> -> memref<1x80x128xi32, #tpu.memory_space<hbm>>
      %dma_wait3A_29 = tpu.memref_squeeze %dma_wait3A_28 : memref<1x80x128xi32, #tpu.memory_space<hbm>> -> memref<80x128xi32, #tpu.memory_space<hbm>>
      tpu.wait_dma2 semaphore(%run_scoped3A : memref<!tpu.dma_semaphore, #tpu.memory_space<semaphore_mem>>) src(%dma_wait3A_29 : memref<80x128xi32, #tpu.memory_space<hbm>>) dst(%arg7 : memref<80x128xi32, #tpu.memory_space<vmem>>)
      tpu.yield
    }) : () -> ()
    "tpu.region"() ({
      %run_scoped3A = tpu.sem_alloc : memref<!tpu.dma_semaphore, #tpu.memory_space<semaphore_mem>>
      tpu.enqueue_dma source(%arg4 : memref<128xf32, #tpu.memory_space<hbm>>) target(%arg8 : memref<128xf32, #tpu.memory_space<vmem>>) target_semaphore(%run_scoped3A : memref<!tpu.dma_semaphore, #tpu.memory_space<semaphore_mem>>)
      tpu.wait_dma2 semaphore(%run_scoped3A : memref<!tpu.dma_semaphore, #tpu.memory_space<semaphore_mem>>) src(%arg4 : memref<128xf32, #tpu.memory_space<hbm>>) dst(%arg8 : memref<128xf32, #tpu.memory_space<vmem>>)
      tpu.yield
    }) : () -> ()
    %mul3A_1 = arith.constant 640 : i32
    %mul3A_2 = arith.muli %arg1, %mul3A_1 : i32
    "tpu.region"() ({
      %run_scoped3A = tpu.sem_alloc : memref<!tpu.dma_semaphore, #tpu.memory_space<semaphore_mem>>
      %dma_start3A = tpu.memref_slice %arg9[%mul3A_2] : memref<10240xf32, #tpu.memory_space<vmem_shared>> -> memref<640xf32, #tpu.memory_space<vmem_shared>>
      tpu.enqueue_dma source(%arg3 : memref<640xf32, #tpu.memory_space<hbm>>) target(%dma_start3A : memref<640xf32, #tpu.memory_space<vmem_shared>>) target_semaphore(%run_scoped3A : memref<!tpu.dma_semaphore, #tpu.memory_space<semaphore_mem>>)
      %dma_wait3A = tpu.memref_slice %arg9[%mul3A_2] : memref<10240xf32, #tpu.memory_space<vmem_shared>> -> memref<640xf32, #tpu.memory_space<vmem_shared>>
      tpu.wait_dma2 semaphore(%run_scoped3A : memref<!tpu.dma_semaphore, #tpu.memory_space<semaphore_mem>>) src(%arg3 : memref<640xf32, #tpu.memory_space<hbm>>) dst(%dma_wait3A : memref<640xf32, #tpu.memory_space<vmem_shared>>)
      tpu.yield
    }) : () -> ()
    %barrier3A = arith.constant 0 : index
    tpu.barrier barrier_id(%barrier3A)
    %scan3A = arith.constant 0 : i32
    %scan3A_3 = arith.constant 0 : i32
    %scan3A_4 = arith.constant 80 : i32
    %scan3A_5 = arith.addi %scan3A_3, %scan3A_4 : i32
    %scan3A_6 = arith.constant 1 : i32
    scf.for %scan3A_16 = %scan3A_3 to %scan3A_5 step %scan3A_6  : i32 {
      "tpu.region"() ({
        %run_scoped3A = tpu.sem_alloc : memref<!tpu.dma_semaphore, #tpu.memory_space<semaphore_mem>>
        %dma_start3A = arith.constant 0 : i32
        %dma_start3A_17 = tpu.memref_slice %arg7[%scan3A_16, %dma_start3A] : memref<80x128xi32, #tpu.memory_space<vmem>> -> memref<1x128xi32, #tpu.memory_space<vmem>>
        %dma_start3A_18 = tpu.memref_squeeze %dma_start3A_17 : memref<1x128xi32, #tpu.memory_space<vmem>> -> memref<128xi32, #tpu.memory_space<vmem>>
        %dma_start3A_19 = arith.constant 0 : i32
        %dma_start3A_20 = tpu.memref_slice %arg9[%dma_start3A_19] : memref<10240xf32, #tpu.memory_space<vmem_shared>> -> memref<10240xf32, #tpu.memory_space<vmem_shared>>
        tpu.enqueue_indirect_dma source(%arg8 : memref<128xf32, #tpu.memory_space<vmem>>) target(%dma_start3A_20 : memref<10240xf32, #tpu.memory_space<vmem_shared>>) offsets(%dma_start3A_18 : memref<128xi32, #tpu.memory_space<vmem>>) semaphore(%run_scoped3A : memref<!tpu.dma_semaphore, #tpu.memory_space<semaphore_mem>>) {add = true}
        %dma_wait3A = arith.constant 0 : i32
        %dma_wait3A_21 = tpu.memref_slice %arg7[%scan3A_16, %dma_wait3A] : memref<80x128xi32, #tpu.memory_space<vmem>> -> memref<1x128xi32, #tpu.memory_space<vmem>>
        %dma_wait3A_22 = tpu.memref_squeeze %dma_wait3A_21 : memref<1x128xi32, #tpu.memory_space<vmem>> -> memref<128xi32, #tpu.memory_space<vmem>>
        %dma_wait3A_23 = arith.constant 0 : i32
        %dma_wait3A_24 = tpu.memref_slice %arg9[%dma_wait3A_23] : memref<10240xf32, #tpu.memory_space<vmem_shared>> -> memref<10240xf32, #tpu.memory_space<vmem_shared>>
        tpu.wait_indirect_dma semaphore(%run_scoped3A : memref<!tpu.dma_semaphore, #tpu.memory_space<semaphore_mem>>) src(%arg8 : memref<128xf32, #tpu.memory_space<vmem>>) dst(%dma_wait3A_24 : memref<10240xf32, #tpu.memory_space<vmem_shared>>)
        tpu.yield
      }) : () -> ()
    }
    %scan3A_7 = arith.constant 80 : i32
    %barrier3A_8 = arith.constant 0 : index
    tpu.barrier barrier_id(%barrier3A_8)
    %eq3A = arith.constant 0 : i32
    %eq3A_9 = arith.cmpi eq, %arg0, %eq3A : i32
    %convert_element_type3A = arith.extui %eq3A_9 : i1 to i32
    %cond3A = arith.constant 0 : i32
    %cond3A_10 = arith.cmpi ne, %convert_element_type3A, %cond3A : i32
    scf.if %cond3A_10 {
      %mul3A_16 = arith.constant 640 : i32
      %mul3A_17 = arith.muli %arg1, %mul3A_16 : i32
      %mul3A_18 = arith.constant 640 : i32
      %mul3A_19 = arith.muli %arg1, %mul3A_18 : i32
      "tpu.region"() ({
        %run_scoped3A = tpu.sem_alloc : memref<!tpu.dma_semaphore, #tpu.memory_space<semaphore_mem>>
        %dma_start3A = tpu.memref_slice %arg5[%mul3A_19] : memref<10240xf32, #tpu.memory_space<hbm>> -> memref<640xf32, #tpu.memory_space<hbm>>
        %dma_start3A_20 = tpu.memref_slice %arg9[%mul3A_17] : memref<10240xf32, #tpu.memory_space<vmem_shared>> -> memref<640xf32, #tpu.memory_space<vmem_shared>>
        tpu.enqueue_dma source(%dma_start3A_20 : memref<640xf32, #tpu.memory_space<vmem_shared>>) target(%dma_start3A : memref<640xf32, #tpu.memory_space<hbm>>) target_semaphore(%run_scoped3A : memref<!tpu.dma_semaphore, #tpu.memory_space<semaphore_mem>>)
        %dma_wait3A = tpu.memref_slice %arg5[%mul3A_19] : memref<10240xf32, #tpu.memory_space<hbm>> -> memref<640xf32, #tpu.memory_space<hbm>>
        %dma_wait3A_21 = tpu.memref_slice %arg9[%mul3A_17] : memref<10240xf32, #tpu.memory_space<vmem_shared>> -> memref<640xf32, #tpu.memory_space<vmem_shared>>
        tpu.wait_dma2 semaphore(%run_scoped3A : memref<!tpu.dma_semaphore, #tpu.memory_space<semaphore_mem>>) src(%dma_wait3A_21 : memref<640xf32, #tpu.memory_space<vmem_shared>>) dst(%dma_wait3A : memref<640xf32, #tpu.memory_space<hbm>>)
        tpu.yield
      }) : () -> ()
    } else {
    }
    %eq3A_11 = arith.constant 1 : i32
    %eq3A_12 = arith.cmpi eq, %arg0, %eq3A_11 : i32
    %convert_element_type3A_13 = arith.extui %eq3A_12 : i1 to i32
    %cond3A_14 = arith.constant 0 : i32
    %cond3A_15 = arith.cmpi ne, %convert_element_type3A_13, %cond3A_14 : i32
    scf.if %cond3A_15 {
      %mul3A_16 = arith.constant 640 : i32
      %mul3A_17 = arith.muli %arg1, %mul3A_16 : i32
      %mul3A_18 = arith.constant 640 : i32
      %mul3A_19 = arith.muli %arg1, %mul3A_18 : i32
      "tpu.region"() ({
        %run_scoped3A = tpu.sem_alloc : memref<!tpu.dma_semaphore, #tpu.memory_space<semaphore_mem>>
        %dma_start3A = tpu.memref_slice %arg6[%mul3A_19] : memref<10240xf32, #tpu.memory_space<hbm>> -> memref<640xf32, #tpu.memory_space<hbm>>
        %dma_start3A_20 = tpu.memref_slice %arg9[%mul3A_17] : memref<10240xf32, #tpu.memory_space<vmem_shared>> -> memref<640xf32, #tpu.memory_space<vmem_shared>>
        tpu.enqueue_dma source(%dma_start3A_20 : memref<640xf32, #tpu.memory_space<vmem_shared>>) target(%dma_start3A : memref<640xf32, #tpu.memory_space<hbm>>) target_semaphore(%run_scoped3A : memref<!tpu.dma_semaphore, #tpu.memory_space<semaphore_mem>>)
        %dma_wait3A = tpu.memref_slice %arg6[%mul3A_19] : memref<10240xf32, #tpu.memory_space<hbm>> -> memref<640xf32, #tpu.memory_space<hbm>>
        %dma_wait3A_21 = tpu.memref_slice %arg9[%mul3A_17] : memref<10240xf32, #tpu.memory_space<vmem_shared>> -> memref<640xf32, #tpu.memory_space<vmem_shared>>
        tpu.wait_dma2 semaphore(%run_scoped3A : memref<!tpu.dma_semaphore, #tpu.memory_space<semaphore_mem>>) src(%dma_wait3A_21 : memref<640xf32, #tpu.memory_space<vmem_shared>>) dst(%dma_wait3A : memref<640xf32, #tpu.memory_space<hbm>>)
        tpu.yield
      }) : () -> ()
    } else {
    }
    return
  }
}

#map = affine_map<(d0, d1) -> (0)>
module attributes {stable_mosaic.version = 14 : i64} {
  func.func @_sc_aggregate(%arg0: i32, %arg1: i32, %arg2: memref<1310720xf32, #tpu.memory_space<hbm>>, %arg3: memref<327680xi32, #tpu.memory_space<hbm>>, %arg4: memref<1310720xf32, #tpu.memory_space<hbm>>, %arg5: memref<40960xf32, #tpu.memory_space<vmem>>, %arg6: memref<40960xf32, #tpu.memory_space<vmem>>, %arg7: memref<2048xi32, #tpu.memory_space<vmem>>, %arg8: memref<2048xi32, #tpu.memory_space<vmem>>, %arg9: memref<!tpu.dma_semaphore, #tpu.memory_space<semaphore_mem>>, %arg10: memref<!tpu.dma_semaphore, #tpu.memory_space<semaphore_mem>>) attributes {dimension_semantics = [#tpu.dimension_semantics<core_parallel>, #tpu.dimension_semantics<subcore_parallel>], iteration_bounds = array<i64: 2, 16>, scalar_prefetch = 0 : i64, scratch_operands = 6 : i64, tpu.core_type = #tpu.core_type<sc_vector_subcore>, window_params = [{transform_indices = #map}, {transform_indices = #map}, {transform_indices = #map}]} {
    %mul3A = arith.constant 16 : i32
    %mul3A_0 = arith.muli %arg0, %mul3A : i32
    %add3A = arith.addi %mul3A_0, %arg1 : i32
    %mul3A_1 = arith.constant 40960 : i32
    %mul3A_2 = arith.muli %add3A, %mul3A_1 : i32
    "tpu.region"() ({
      %run_scoped3A = tpu.sem_alloc : memref<!tpu.dma_semaphore, #tpu.memory_space<semaphore_mem>>
      %dma_start3A_15 = tpu.memref_slice %arg2[%mul3A_2] : memref<1310720xf32, #tpu.memory_space<hbm>> -> memref<40960xf32, #tpu.memory_space<hbm>>
      %dma_start3A_16 = tpu.memref_slice %arg2[%mul3A_2] : memref<1310720xf32, #tpu.memory_space<hbm>> -> memref<40960xf32, #tpu.memory_space<hbm>>
      tpu.enqueue_dma source(%dma_start3A_16 : memref<40960xf32, #tpu.memory_space<hbm>>) target(%arg5 : memref<40960xf32, #tpu.memory_space<vmem>>) target_semaphore(%run_scoped3A : memref<!tpu.dma_semaphore, #tpu.memory_space<semaphore_mem>>)
      %dma_wait3A = tpu.memref_slice %arg2[%mul3A_2] : memref<1310720xf32, #tpu.memory_space<hbm>> -> memref<40960xf32, #tpu.memory_space<hbm>>
      %dma_wait3A_17 = tpu.memref_slice %arg2[%mul3A_2] : memref<1310720xf32, #tpu.memory_space<hbm>> -> memref<40960xf32, #tpu.memory_space<hbm>>
      tpu.wait_dma2 semaphore(%run_scoped3A : memref<!tpu.dma_semaphore, #tpu.memory_space<semaphore_mem>>) src(%dma_wait3A_17 : memref<40960xf32, #tpu.memory_space<hbm>>) dst(%arg5 : memref<40960xf32, #tpu.memory_space<vmem>>)
      tpu.yield
    }) : () -> ()
    "tpu.region"() ({
      %run_scoped3A = tpu.sem_alloc : memref<!tpu.dma_semaphore, #tpu.memory_space<semaphore_mem>>
      %dma_start3A_15 = tpu.memref_slice %arg2[%mul3A_2] : memref<1310720xf32, #tpu.memory_space<hbm>> -> memref<40960xf32, #tpu.memory_space<hbm>>
      %dma_start3A_16 = tpu.memref_slice %arg2[%mul3A_2] : memref<1310720xf32, #tpu.memory_space<hbm>> -> memref<40960xf32, #tpu.memory_space<hbm>>
      tpu.enqueue_dma source(%dma_start3A_16 : memref<40960xf32, #tpu.memory_space<hbm>>) target(%arg6 : memref<40960xf32, #tpu.memory_space<vmem>>) target_semaphore(%run_scoped3A : memref<!tpu.dma_semaphore, #tpu.memory_space<semaphore_mem>>)
      %dma_wait3A = tpu.memref_slice %arg2[%mul3A_2] : memref<1310720xf32, #tpu.memory_space<hbm>> -> memref<40960xf32, #tpu.memory_space<hbm>>
      %dma_wait3A_17 = tpu.memref_slice %arg2[%mul3A_2] : memref<1310720xf32, #tpu.memory_space<hbm>> -> memref<40960xf32, #tpu.memory_space<hbm>>
      tpu.wait_dma2 semaphore(%run_scoped3A : memref<!tpu.dma_semaphore, #tpu.memory_space<semaphore_mem>>) src(%dma_wait3A_17 : memref<40960xf32, #tpu.memory_space<hbm>>) dst(%arg6 : memref<40960xf32, #tpu.memory_space<vmem>>)
      tpu.yield
    }) : () -> ()
    %dma_start3A = arith.constant 0 : i32
    %dma_start3A_3 = tpu.memref_slice %arg3[%dma_start3A] : memref<327680xi32, #tpu.memory_space<hbm>> -> memref<2048xi32, #tpu.memory_space<hbm>>
    %dma_start3A_4 = arith.constant 0 : i32
    %dma_start3A_5 = tpu.memref_slice %arg3[%dma_start3A_4] : memref<327680xi32, #tpu.memory_space<hbm>> -> memref<2048xi32, #tpu.memory_space<hbm>>
    tpu.enqueue_dma source(%dma_start3A_5 : memref<2048xi32, #tpu.memory_space<hbm>>) target(%arg7 : memref<2048xi32, #tpu.memory_space<vmem>>) target_semaphore(%arg9 : memref<!tpu.dma_semaphore, #tpu.memory_space<semaphore_mem>>)
    %dma_start3A_6 = arith.constant 2048 : i32
    %dma_start3A_7 = tpu.memref_slice %arg3[%dma_start3A_6] : memref<327680xi32, #tpu.memory_space<hbm>> -> memref<2048xi32, #tpu.memory_space<hbm>>
    %dma_start3A_8 = arith.constant 2048 : i32
    %dma_start3A_9 = tpu.memref_slice %arg3[%dma_start3A_8] : memref<327680xi32, #tpu.memory_space<hbm>> -> memref<2048xi32, #tpu.memory_space<hbm>>
    tpu.enqueue_dma source(%dma_start3A_9 : memref<2048xi32, #tpu.memory_space<hbm>>) target(%arg8 : memref<2048xi32, #tpu.memory_space<vmem>>) target_semaphore(%arg10 : memref<!tpu.dma_semaphore, #tpu.memory_space<semaphore_mem>>)
    %scan3A = arith.constant 0 : i32
    %scan3A_10 = arith.constant 0 : i32
    %scan3A_11 = arith.constant 80 : i32
    %scan3A_12 = arith.addi %scan3A_10, %scan3A_11 : i32
    %scan3A_13 = arith.constant 1 : i32
    scf.for %scan3A_15 = %scan3A_10 to %scan3A_12 step %scan3A_13  : i32 {
      %mul3A_16 = arith.constant 2 : i32
      %mul3A_17 = arith.muli %mul3A_16, %scan3A_15 : i32
      %dma_wait3A = arith.constant 0 : i32
      %dma_wait3A_18 = tpu.memref_slice %arg3[%dma_wait3A] : memref<327680xi32, #tpu.memory_space<hbm>> -> memref<2048xi32, #tpu.memory_space<hbm>>
      %dma_wait3A_19 = arith.constant 0 : i32
      %dma_wait3A_20 = tpu.memref_slice %arg3[%dma_wait3A_19] : memref<327680xi32, #tpu.memory_space<hbm>> -> memref<2048xi32, #tpu.memory_space<hbm>>
      tpu.wait_dma2 semaphore(%arg9 : memref<!tpu.dma_semaphore, #tpu.memory_space<semaphore_mem>>) src(%dma_wait3A_20 : memref<2048xi32, #tpu.memory_space<hbm>>) dst(%arg7 : memref<2048xi32, #tpu.memory_space<vmem>>)
      %scan3A_21 = arith.constant 0 : i32
      %scan3A_22 = arith.constant 0 : i32
      %scan3A_23 = arith.constant 32 : i32
      %scan3A_24 = arith.addi %scan3A_22, %scan3A_23 : i32
      %scan3A_25 = arith.constant 1 : i32
      scf.for %scan3A_44 = %scan3A_22 to %scan3A_24 step %scan3A_25  : i32 {
        %mul3A_45 = arith.constant 64 : i32
        %mul3A_46 = arith.muli %scan3A_44, %mul3A_45 : i32
        %add3A_47 = arith.constant 0 : i32
        %add3A_48 = arith.addi %mul3A_46, %add3A_47 : i32
        %get3A = arith.index_cast %add3A_48 : i32 to index
        %get3A_49 = tpu.vector_load %arg7[%get3A] {strides = array<i32>} : memref<2048xi32, #tpu.memory_space<vmem>>, vector<16xi32>,
        %and3A = arith.constant 16383 : i32
        %and3A_50 = vector.broadcast %and3A : i32 to vector<16xi32>
        %and3A_51 = arith.andi %get3A_49, %and3A_50 : vector<16xi32>
        %shift_right_logical3A = arith.constant 14 : i32
        %shift_right_logical3A_52 = vector.broadcast %shift_right_logical3A : i32 to vector<16xi32>
        %shift_right_logical3A_53 = arith.shrui %get3A_49, %shift_right_logical3A_52 : vector<16xi32>
        %add3A_54 = arith.constant 0 : i32
        %add3A_55 = vector.broadcast %add3A_54 : i32 to vector<16xi32>
        %add3A_56 = arith.addi %and3A_51, %add3A_55 : vector<16xi32>
        %gather3A = tpu.vector_load_idx %arg5[%add3A_56] : memref<40960xf32, #tpu.memory_space<vmem>>[vector<16xi32>], vector<16xf32>,
        %add3A_57 = arith.constant 0 : i32
        %add3A_58 = vector.broadcast %add3A_57 : i32 to vector<16xi32>
        %add3A_59 = arith.addi %shift_right_logical3A_53, %add3A_58 : vector<16xi32>
        tpu.vector_store_idx %arg6[%add3A_59], %gather3A {add = true} : memref<40960xf32, #tpu.memory_space<vmem>>[vector<16xi32>], vector<16xf32>,
        %add3A_60 = arith.constant 10240 : i32
        %add3A_61 = vector.broadcast %add3A_60 : i32 to vector<16xi32>
        %add3A_62 = arith.addi %and3A_51, %add3A_61 : vector<16xi32>
        %gather3A_63 = tpu.vector_load_idx %arg5[%add3A_62] : memref<40960xf32, #tpu.memory_space<vmem>>[vector<16xi32>], vector<16xf32>,
        %add3A_64 = arith.constant 10240 : i32
        %add3A_65 = vector.broadcast %add3A_64 : i32 to vector<16xi32>
        %add3A_66 = arith.addi %shift_right_logical3A_53, %add3A_65 : vector<16xi32>
        tpu.vector_store_idx %arg6[%add3A_66], %gather3A_63 {add = true} : memref<40960xf32, #tpu.memory_space<vmem>>[vector<16xi32>], vector<16xf32>,
        %add3A_67 = arith.constant 20480 : i32
        %add3A_68 = vector.broadcast %add3A_67 : i32 to vector<16xi32>
        %add3A_69 = arith.addi %and3A_51, %add3A_68 : vector<16xi32>
        %gather3A_70 = tpu.vector_load_idx %arg5[%add3A_69] : memref<40960xf32, #tpu.memory_space<vmem>>[vector<16xi32>], vector<16xf32>,
        %add3A_71 = arith.constant 20480 : i32
        %add3A_72 = vector.broadcast %add3A_71 : i32 to vector<16xi32>
        %add3A_73 = arith.addi %shift_right_logical3A_53, %add3A_72 : vector<16xi32>
        tpu.vector_store_idx %arg6[%add3A_73], %gather3A_70 {add = true} : memref<40960xf32, #tpu.memory_space<vmem>>[vector<16xi32>], vector<16xf32>,
        %add3A_74 = arith.constant 30720 : i32
        %add3A_75 = vector.broadcast %add3A_74 : i32 to vector<16xi32>
        %add3A_76 = arith.addi %and3A_51, %add3A_75 : vector<16xi32>
        %gather3A_77 = tpu.vector_load_idx %arg5[%add3A_76] : memref<40960xf32, #tpu.memory_space<vmem>>[vector<16xi32>], vector<16xf32>,
        %add3A_78 = arith.constant 30720 : i32
        %add3A_79 = vector.broadcast %add3A_78 : i32 to vector<16xi32>
        %add3A_80 = arith.addi %shift_right_logical3A_53, %add3A_79 : vector<16xi32>
        tpu.vector_store_idx %arg6[%add3A_80], %gather3A_77 {add = true} : memref<40960xf32, #tpu.memory_space<vmem>>[vector<16xi32>], vector<16xf32>,
        %mul3A_81 = arith.constant 64 : i32
        %mul3A_82 = arith.muli %scan3A_44, %mul3A_81 : i32
        %add3A_83 = arith.constant 16 : i32
        %add3A_84 = arith.addi %mul3A_82, %add3A_83 : i32
        %get3A_85 = arith.index_cast %add3A_84 : i32 to index
        %get3A_86 = tpu.vector_load %arg7[%get3A_85] {strides = array<i32>} : memref<2048xi32, #tpu.memory_space<vmem>>, vector<16xi32>,
        %and3A_87 = arith.constant 16383 : i32
        %and3A_88 = vector.broadcast %and3A_87 : i32 to vector<16xi32>
        %and3A_89 = arith.andi %get3A_86, %and3A_88 : vector<16xi32>
        %shift_right_logical3A_90 = arith.constant 14 : i32
        %shift_right_logical3A_91 = vector.broadcast %shift_right_logical3A_90 : i32 to vector<16xi32>
        %shift_right_logical3A_92 = arith.shrui %get3A_86, %shift_right_logical3A_91 : vector<16xi32>
        %add3A_93 = arith.constant 0 : i32
        %add3A_94 = vector.broadcast %add3A_93 : i32 to vector<16xi32>
        %add3A_95 = arith.addi %and3A_89, %add3A_94 : vector<16xi32>
        %gather3A_96 = tpu.vector_load_idx %arg5[%add3A_95] : memref<40960xf32, #tpu.memory_space<vmem>>[vector<16xi32>], vector<16xf32>,
        %add3A_97 = arith.constant 0 : i32
        %add3A_98 = vector.broadcast %add3A_97 : i32 to vector<16xi32>
        %add3A_99 = arith.addi %shift_right_logical3A_92, %add3A_98 : vector<16xi32>
        tpu.vector_store_idx %arg6[%add3A_99], %gather3A_96 {add = true} : memref<40960xf32, #tpu.memory_space<vmem>>[vector<16xi32>], vector<16xf32>,
        %add3A_100 = arith.constant 10240 : i32
        %add3A_101 = vector.broadcast %add3A_100 : i32 to vector<16xi32>
        %add3A_102 = arith.addi %and3A_89, %add3A_101 : vector<16xi32>
        %gather3A_103 = tpu.vector_load_idx %arg5[%add3A_102] : memref<40960xf32, #tpu.memory_space<vmem>>[vector<16xi32>], vector<16xf32>,
        %add3A_104 = arith.constant 10240 : i32
        %add3A_105 = vector.broadcast %add3A_104 : i32 to vector<16xi32>
        %add3A_106 = arith.addi %shift_right_logical3A_92, %add3A_105 : vector<16xi32>
        tpu.vector_store_idx %arg6[%add3A_106], %gather3A_103 {add = true} : memref<40960xf32, #tpu.memory_space<vmem>>[vector<16xi32>], vector<16xf32>,
        %add3A_107 = arith.constant 20480 : i32
        %add3A_108 = vector.broadcast %add3A_107 : i32 to vector<16xi32>
        %add3A_109 = arith.addi %and3A_89, %add3A_108 : vector<16xi32>
        %gather3A_110 = tpu.vector_load_idx %arg5[%add3A_109] : memref<40960xf32, #tpu.memory_space<vmem>>[vector<16xi32>], vector<16xf32>,
        %add3A_111 = arith.constant 20480 : i32
        %add3A_112 = vector.broadcast %add3A_111 : i32 to vector<16xi32>
        %add3A_113 = arith.addi %shift_right_logical3A_92, %add3A_112 : vector<16xi32>
        tpu.vector_store_idx %arg6[%add3A_113], %gather3A_110 {add = true} : memref<40960xf32, #tpu.memory_space<vmem>>[vector<16xi32>], vector<16xf32>,
        %add3A_114 = arith.constant 30720 : i32
        %add3A_115 = vector.broadcast %add3A_114 : i32 to vector<16xi32>
        %add3A_116 = arith.addi %and3A_89, %add3A_115 : vector<16xi32>
        %gather3A_117 = tpu.vector_load_idx %arg5[%add3A_116] : memref<40960xf32, #tpu.memory_space<vmem>>[vector<16xi32>], vector<16xf32>,
        %add3A_118 = arith.constant 30720 : i32
        %add3A_119 = vector.broadcast %add3A_118 : i32 to vector<16xi32>
        %add3A_120 = arith.addi %shift_right_logical3A_92, %add3A_119 : vector<16xi32>
        tpu.vector_store_idx %arg6[%add3A_120], %gather3A_117 {add = true} : memref<40960xf32, #tpu.memory_space<vmem>>[vector<16xi32>], vector<16xf32>,
        %mul3A_121 = arith.constant 64 : i32
        %mul3A_122 = arith.muli %scan3A_44, %mul3A_121 : i32
        %add3A_123 = arith.constant 32 : i32
        %add3A_124 = arith.addi %mul3A_122, %add3A_123 : i32
        %get3A_125 = arith.index_cast %add3A_124 : i32 to index
        %get3A_126 = tpu.vector_load %arg7[%get3A_125] {strides = array<i32>} : memref<2048xi32, #tpu.memory_space<vmem>>, vector<16xi32>,
        %and3A_127 = arith.constant 16383 : i32
        %and3A_128 = vector.broadcast %and3A_127 : i32 to vector<16xi32>
        %and3A_129 = arith.andi %get3A_126, %and3A_128 : vector<16xi32>
        %shift_right_logical3A_130 = arith.constant 14 : i32
        %shift_right_logical3A_131 = vector.broadcast %shift_right_logical3A_130 : i32 to vector<16xi32>
        %shift_right_logical3A_132 = arith.shrui %get3A_126, %shift_right_logical3A_131 : vector<16xi32>
        %add3A_133 = arith.constant 0 : i32
        %add3A_134 = vector.broadcast %add3A_133 : i32 to vector<16xi32>
        %add3A_135 = arith.addi %and3A_129, %add3A_134 : vector<16xi32>
        %gather3A_136 = tpu.vector_load_idx %arg5[%add3A_135] : memref<40960xf32, #tpu.memory_space<vmem>>[vector<16xi32>], vector<16xf32>,
        %add3A_137 = arith.constant 0 : i32
        %add3A_138 = vector.broadcast %add3A_137 : i32 to vector<16xi32>
        %add3A_139 = arith.addi %shift_right_logical3A_132, %add3A_138 : vector<16xi32>
        tpu.vector_store_idx %arg6[%add3A_139], %gather3A_136 {add = true} : memref<40960xf32, #tpu.memory_space<vmem>>[vector<16xi32>], vector<16xf32>,
        %add3A_140 = arith.constant 10240 : i32
        %add3A_141 = vector.broadcast %add3A_140 : i32 to vector<16xi32>
        %add3A_142 = arith.addi %and3A_129, %add3A_141 : vector<16xi32>
        %gather3A_143 = tpu.vector_load_idx %arg5[%add3A_142] : memref<40960xf32, #tpu.memory_space<vmem>>[vector<16xi32>], vector<16xf32>,
        %add3A_144 = arith.constant 10240 : i32
        %add3A_145 = vector.broadcast %add3A_144 : i32 to vector<16xi32>
        %add3A_146 = arith.addi %shift_right_logical3A_132, %add3A_145 : vector<16xi32>
        tpu.vector_store_idx %arg6[%add3A_146], %gather3A_143 {add = true} : memref<40960xf32, #tpu.memory_space<vmem>>[vector<16xi32>], vector<16xf32>,
        %add3A_147 = arith.constant 20480 : i32
        %add3A_148 = vector.broadcast %add3A_147 : i32 to vector<16xi32>
        %add3A_149 = arith.addi %and3A_129, %add3A_148 : vector<16xi32>
        %gather3A_150 = tpu.vector_load_idx %arg5[%add3A_149] : memref<40960xf32, #tpu.memory_space<vmem>>[vector<16xi32>], vector<16xf32>,
        %add3A_151 = arith.constant 20480 : i32
        %add3A_152 = vector.broadcast %add3A_151 : i32 to vector<16xi32>
        %add3A_153 = arith.addi %shift_right_logical3A_132, %add3A_152 : vector<16xi32>
        tpu.vector_store_idx %arg6[%add3A_153], %gather3A_150 {add = true} : memref<40960xf32, #tpu.memory_space<vmem>>[vector<16xi32>], vector<16xf32>,
        %add3A_154 = arith.constant 30720 : i32
        %add3A_155 = vector.broadcast %add3A_154 : i32 to vector<16xi32>
        %add3A_156 = arith.addi %and3A_129, %add3A_155 : vector<16xi32>
        %gather3A_157 = tpu.vector_load_idx %arg5[%add3A_156] : memref<40960xf32, #tpu.memory_space<vmem>>[vector<16xi32>], vector<16xf32>,
        %add3A_158 = arith.constant 30720 : i32
        %add3A_159 = vector.broadcast %add3A_158 : i32 to vector<16xi32>
        %add3A_160 = arith.addi %shift_right_logical3A_132, %add3A_159 : vector<16xi32>
        tpu.vector_store_idx %arg6[%add3A_160], %gather3A_157 {add = true} : memref<40960xf32, #tpu.memory_space<vmem>>[vector<16xi32>], vector<16xf32>,
        %mul3A_161 = arith.constant 64 : i32
        %mul3A_162 = arith.muli %scan3A_44, %mul3A_161 : i32
        %add3A_163 = arith.constant 48 : i32
        %add3A_164 = arith.addi %mul3A_162, %add3A_163 : i32
        %get3A_165 = arith.index_cast %add3A_164 : i32 to index
        %get3A_166 = tpu.vector_load %arg7[%get3A_165] {strides = array<i32>} : memref<2048xi32, #tpu.memory_space<vmem>>, vector<16xi32>,
        %and3A_167 = arith.constant 16383 : i32
        %and3A_168 = vector.broadcast %and3A_167 : i32 to vector<16xi32>
        %and3A_169 = arith.andi %get3A_166, %and3A_168 : vector<16xi32>
        %shift_right_logical3A_170 = arith.constant 14 : i32
        %shift_right_logical3A_171 = vector.broadcast %shift_right_logical3A_170 : i32 to vector<16xi32>
        %shift_right_logical3A_172 = arith.shrui %get3A_166, %shift_right_logical3A_171 : vector<16xi32>
        %add3A_173 = arith.constant 0 : i32
        %add3A_174 = vector.broadcast %add3A_173 : i32 to vector<16xi32>
        %add3A_175 = arith.addi %and3A_169, %add3A_174 : vector<16xi32>
        %gather3A_176 = tpu.vector_load_idx %arg5[%add3A_175] : memref<40960xf32, #tpu.memory_space<vmem>>[vector<16xi32>], vector<16xf32>,
        %add3A_177 = arith.constant 0 : i32
        %add3A_178 = vector.broadcast %add3A_177 : i32 to vector<16xi32>
        %add3A_179 = arith.addi %shift_right_logical3A_172, %add3A_178 : vector<16xi32>
        tpu.vector_store_idx %arg6[%add3A_179], %gather3A_176 {add = true} : memref<40960xf32, #tpu.memory_space<vmem>>[vector<16xi32>], vector<16xf32>,
        %add3A_180 = arith.constant 10240 : i32
        %add3A_181 = vector.broadcast %add3A_180 : i32 to vector<16xi32>
        %add3A_182 = arith.addi %and3A_169, %add3A_181 : vector<16xi32>
        %gather3A_183 = tpu.vector_load_idx %arg5[%add3A_182] : memref<40960xf32, #tpu.memory_space<vmem>>[vector<16xi32>], vector<16xf32>,
        %add3A_184 = arith.constant 10240 : i32
        %add3A_185 = vector.broadcast %add3A_184 : i32 to vector<16xi32>
        %add3A_186 = arith.addi %shift_right_logical3A_172, %add3A_185 : vector<16xi32>
        tpu.vector_store_idx %arg6[%add3A_186], %gather3A_183 {add = true} : memref<40960xf32, #tpu.memory_space<vmem>>[vector<16xi32>], vector<16xf32>,
        %add3A_187 = arith.constant 20480 : i32
        %add3A_188 = vector.broadcast %add3A_187 : i32 to vector<16xi32>
        %add3A_189 = arith.addi %and3A_169, %add3A_188 : vector<16xi32>
        %gather3A_190 = tpu.vector_load_idx %arg5[%add3A_189] : memref<40960xf32, #tpu.memory_space<vmem>>[vector<16xi32>], vector<16xf32>,
        %add3A_191 = arith.constant 20480 : i32
        %add3A_192 = vector.broadcast %add3A_191 : i32 to vector<16xi32>
        %add3A_193 = arith.addi %shift_right_logical3A_172, %add3A_192 : vector<16xi32>
        tpu.vector_store_idx %arg6[%add3A_193], %gather3A_190 {add = true} : memref<40960xf32, #tpu.memory_space<vmem>>[vector<16xi32>], vector<16xf32>,
        %add3A_194 = arith.constant 30720 : i32
        %add3A_195 = vector.broadcast %add3A_194 : i32 to vector<16xi32>
        %add3A_196 = arith.addi %and3A_169, %add3A_195 : vector<16xi32>
        %gather3A_197 = tpu.vector_load_idx %arg5[%add3A_196] : memref<40960xf32, #tpu.memory_space<vmem>>[vector<16xi32>], vector<16xf32>,
        %add3A_198 = arith.constant 30720 : i32
        %add3A_199 = vector.broadcast %add3A_198 : i32 to vector<16xi32>
        %add3A_200 = arith.addi %shift_right_logical3A_172, %add3A_199 : vector<16xi32>
        tpu.vector_store_idx %arg6[%add3A_200], %gather3A_197 {add = true} : memref<40960xf32, #tpu.memory_space<vmem>>[vector<16xi32>], vector<16xf32>,
      }
      %scan3A_26 = arith.constant 32 : i32
      %lt3A = arith.constant 79 : i32
      %lt3A_27 = arith.cmpi slt, %scan3A_15, %lt3A : i32
      %convert_element_type3A = arith.extui %lt3A_27 : i1 to i32
      %cond3A = arith.constant 0 : i32
      %cond3A_28 = arith.cmpi ne, %convert_element_type3A, %cond3A : i32
      scf.if %cond3A_28 {
        %add3A_44 = arith.constant 2 : i32
        %add3A_45 = arith.addi %mul3A_17, %add3A_44 : i32
        %mul3A_46 = arith.constant 2048 : i32
        %mul3A_47 = arith.muli %add3A_45, %mul3A_46 : i32
        %dma_start3A_48 = tpu.memref_slice %arg3[%mul3A_47] : memref<327680xi32, #tpu.memory_space<hbm>> -> memref<2048xi32, #tpu.memory_space<hbm>>
        %dma_start3A_49 = tpu.memref_slice %arg3[%mul3A_47] : memref<327680xi32, #tpu.memory_space<hbm>> -> memref<2048xi32, #tpu.memory_space<hbm>>
        tpu.enqueue_dma source(%dma_start3A_49 : memref<2048xi32, #tpu.memory_space<hbm>>) target(%arg7 : memref<2048xi32, #tpu.memory_space<vmem>>) target_semaphore(%arg9 : memref<!tpu.dma_semaphore, #tpu.memory_space<semaphore_mem>>)
      } else {
      }
      %dma_wait3A_29 = arith.constant 0 : i32
      %dma_wait3A_30 = tpu.memref_slice %arg3[%dma_wait3A_29] : memref<327680xi32, #tpu.memory_space<hbm>> -> memref<2048xi32, #tpu.memory_space<hbm>>
      %dma_wait3A_31 = arith.constant 0 : i32
      %dma_wait3A_32 = tpu.memref_slice %arg3[%dma_wait3A_31] : memref<327680xi32, #tpu.memory_space<hbm>> -> memref<2048xi32, #tpu.memory_space<hbm>>
      tpu.wait_dma2 semaphore(%arg10 : memref<!tpu.dma_semaphore, #tpu.memory_space<semaphore_mem>>) src(%dma_wait3A_32 : memref<2048xi32, #tpu.memory_space<hbm>>) dst(%arg8 : memref<2048xi32, #tpu.memory_space<vmem>>)
      %scan3A_33 = arith.constant 0 : i32
      %scan3A_34 = arith.constant 0 : i32
      %scan3A_35 = arith.constant 32 : i32
      %scan3A_36 = arith.addi %scan3A_34, %scan3A_35 : i32
      %scan3A_37 = arith.constant 1 : i32
      scf.for %scan3A_44 = %scan3A_34 to %scan3A_36 step %scan3A_37  : i32 {
        %mul3A_45 = arith.constant 64 : i32
        %mul3A_46 = arith.muli %scan3A_44, %mul3A_45 : i32
        %add3A_47 = arith.constant 0 : i32
        %add3A_48 = arith.addi %mul3A_46, %add3A_47 : i32
        %get3A = arith.index_cast %add3A_48 : i32 to index
        %get3A_49 = tpu.vector_load %arg8[%get3A] {strides = array<i32>} : memref<2048xi32, #tpu.memory_space<vmem>>, vector<16xi32>,
        %and3A = arith.constant 16383 : i32
        %and3A_50 = vector.broadcast %and3A : i32 to vector<16xi32>
        %and3A_51 = arith.andi %get3A_49, %and3A_50 : vector<16xi32>
        %shift_right_logical3A = arith.constant 14 : i32
        %shift_right_logical3A_52 = vector.broadcast %shift_right_logical3A : i32 to vector<16xi32>
        %shift_right_logical3A_53 = arith.shrui %get3A_49, %shift_right_logical3A_52 : vector<16xi32>
        %add3A_54 = arith.constant 0 : i32
        %add3A_55 = vector.broadcast %add3A_54 : i32 to vector<16xi32>
        %add3A_56 = arith.addi %and3A_51, %add3A_55 : vector<16xi32>
        %gather3A = tpu.vector_load_idx %arg5[%add3A_56] : memref<40960xf32, #tpu.memory_space<vmem>>[vector<16xi32>], vector<16xf32>,
        %add3A_57 = arith.constant 0 : i32
        %add3A_58 = vector.broadcast %add3A_57 : i32 to vector<16xi32>
        %add3A_59 = arith.addi %shift_right_logical3A_53, %add3A_58 : vector<16xi32>
        tpu.vector_store_idx %arg6[%add3A_59], %gather3A {add = true} : memref<40960xf32, #tpu.memory_space<vmem>>[vector<16xi32>], vector<16xf32>,
        %add3A_60 = arith.constant 10240 : i32
        %add3A_61 = vector.broadcast %add3A_60 : i32 to vector<16xi32>
        %add3A_62 = arith.addi %and3A_51, %add3A_61 : vector<16xi32>
        %gather3A_63 = tpu.vector_load_idx %arg5[%add3A_62] : memref<40960xf32, #tpu.memory_space<vmem>>[vector<16xi32>], vector<16xf32>,
        %add3A_64 = arith.constant 10240 : i32
        %add3A_65 = vector.broadcast %add3A_64 : i32 to vector<16xi32>
        %add3A_66 = arith.addi %shift_right_logical3A_53, %add3A_65 : vector<16xi32>
        tpu.vector_store_idx %arg6[%add3A_66], %gather3A_63 {add = true} : memref<40960xf32, #tpu.memory_space<vmem>>[vector<16xi32>], vector<16xf32>,
        %add3A_67 = arith.constant 20480 : i32
        %add3A_68 = vector.broadcast %add3A_67 : i32 to vector<16xi32>
        %add3A_69 = arith.addi %and3A_51, %add3A_68 : vector<16xi32>
        %gather3A_70 = tpu.vector_load_idx %arg5[%add3A_69] : memref<40960xf32, #tpu.memory_space<vmem>>[vector<16xi32>], vector<16xf32>,
        %add3A_71 = arith.constant 20480 : i32
        %add3A_72 = vector.broadcast %add3A_71 : i32 to vector<16xi32>
        %add3A_73 = arith.addi %shift_right_logical3A_53, %add3A_72 : vector<16xi32>
        tpu.vector_store_idx %arg6[%add3A_73], %gather3A_70 {add = true} : memref<40960xf32, #tpu.memory_space<vmem>>[vector<16xi32>], vector<16xf32>,
        %add3A_74 = arith.constant 30720 : i32
        %add3A_75 = vector.broadcast %add3A_74 : i32 to vector<16xi32>
        %add3A_76 = arith.addi %and3A_51, %add3A_75 : vector<16xi32>
        %gather3A_77 = tpu.vector_load_idx %arg5[%add3A_76] : memref<40960xf32, #tpu.memory_space<vmem>>[vector<16xi32>], vector<16xf32>,
        %add3A_78 = arith.constant 30720 : i32
        %add3A_79 = vector.broadcast %add3A_78 : i32 to vector<16xi32>
        %add3A_80 = arith.addi %shift_right_logical3A_53, %add3A_79 : vector<16xi32>
        tpu.vector_store_idx %arg6[%add3A_80], %gather3A_77 {add = true} : memref<40960xf32, #tpu.memory_space<vmem>>[vector<16xi32>], vector<16xf32>,
        %mul3A_81 = arith.constant 64 : i32
        %mul3A_82 = arith.muli %scan3A_44, %mul3A_81 : i32
        %add3A_83 = arith.constant 16 : i32
        %add3A_84 = arith.addi %mul3A_82, %add3A_83 : i32
        %get3A_85 = arith.index_cast %add3A_84 : i32 to index
        %get3A_86 = tpu.vector_load %arg8[%get3A_85] {strides = array<i32>} : memref<2048xi32, #tpu.memory_space<vmem>>, vector<16xi32>,
        %and3A_87 = arith.constant 16383 : i32
        %and3A_88 = vector.broadcast %and3A_87 : i32 to vector<16xi32>
        %and3A_89 = arith.andi %get3A_86, %and3A_88 : vector<16xi32>
        %shift_right_logical3A_90 = arith.constant 14 : i32
        %shift_right_logical3A_91 = vector.broadcast %shift_right_logical3A_90 : i32 to vector<16xi32>
        %shift_right_logical3A_92 = arith.shrui %get3A_86, %shift_right_logical3A_91 : vector<16xi32>
        %add3A_93 = arith.constant 0 : i32
        %add3A_94 = vector.broadcast %add3A_93 : i32 to vector<16xi32>
        %add3A_95 = arith.addi %and3A_89, %add3A_94 : vector<16xi32>
        %gather3A_96 = tpu.vector_load_idx %arg5[%add3A_95] : memref<40960xf32, #tpu.memory_space<vmem>>[vector<16xi32>], vector<16xf32>,
        %add3A_97 = arith.constant 0 : i32
        %add3A_98 = vector.broadcast %add3A_97 : i32 to vector<16xi32>
        %add3A_99 = arith.addi %shift_right_logical3A_92, %add3A_98 : vector<16xi32>
        tpu.vector_store_idx %arg6[%add3A_99], %gather3A_96 {add = true} : memref<40960xf32, #tpu.memory_space<vmem>>[vector<16xi32>], vector<16xf32>,
        %add3A_100 = arith.constant 10240 : i32
        %add3A_101 = vector.broadcast %add3A_100 : i32 to vector<16xi32>
        %add3A_102 = arith.addi %and3A_89, %add3A_101 : vector<16xi32>
        %gather3A_103 = tpu.vector_load_idx %arg5[%add3A_102] : memref<40960xf32, #tpu.memory_space<vmem>>[vector<16xi32>], vector<16xf32>,
        %add3A_104 = arith.constant 10240 : i32
        %add3A_105 = vector.broadcast %add3A_104 : i32 to vector<16xi32>
        %add3A_106 = arith.addi %shift_right_logical3A_92, %add3A_105 : vector<16xi32>
        tpu.vector_store_idx %arg6[%add3A_106], %gather3A_103 {add = true} : memref<40960xf32, #tpu.memory_space<vmem>>[vector<16xi32>], vector<16xf32>,
        %add3A_107 = arith.constant 20480 : i32
        %add3A_108 = vector.broadcast %add3A_107 : i32 to vector<16xi32>
        %add3A_109 = arith.addi %and3A_89, %add3A_108 : vector<16xi32>
        %gather3A_110 = tpu.vector_load_idx %arg5[%add3A_109] : memref<40960xf32, #tpu.memory_space<vmem>>[vector<16xi32>], vector<16xf32>,
        %add3A_111 = arith.constant 20480 : i32
        %add3A_112 = vector.broadcast %add3A_111 : i32 to vector<16xi32>
        %add3A_113 = arith.addi %shift_right_logical3A_92, %add3A_112 : vector<16xi32>
        tpu.vector_store_idx %arg6[%add3A_113], %gather3A_110 {add = true} : memref<40960xf32, #tpu.memory_space<vmem>>[vector<16xi32>], vector<16xf32>,
        %add3A_114 = arith.constant 30720 : i32
        %add3A_115 = vector.broadcast %add3A_114 : i32 to vector<16xi32>
        %add3A_116 = arith.addi %and3A_89, %add3A_115 : vector<16xi32>
        %gather3A_117 = tpu.vector_load_idx %arg5[%add3A_116] : memref<40960xf32, #tpu.memory_space<vmem>>[vector<16xi32>], vector<16xf32>,
        %add3A_118 = arith.constant 30720 : i32
        %add3A_119 = vector.broadcast %add3A_118 : i32 to vector<16xi32>
        %add3A_120 = arith.addi %shift_right_logical3A_92, %add3A_119 : vector<16xi32>
        tpu.vector_store_idx %arg6[%add3A_120], %gather3A_117 {add = true} : memref<40960xf32, #tpu.memory_space<vmem>>[vector<16xi32>], vector<16xf32>,
        %mul3A_121 = arith.constant 64 : i32
        %mul3A_122 = arith.muli %scan3A_44, %mul3A_121 : i32
        %add3A_123 = arith.constant 32 : i32
        %add3A_124 = arith.addi %mul3A_122, %add3A_123 : i32
        %get3A_125 = arith.index_cast %add3A_124 : i32 to index
        %get3A_126 = tpu.vector_load %arg8[%get3A_125] {strides = array<i32>} : memref<2048xi32, #tpu.memory_space<vmem>>, vector<16xi32>,
        %and3A_127 = arith.constant 16383 : i32
        %and3A_128 = vector.broadcast %and3A_127 : i32 to vector<16xi32>
        %and3A_129 = arith.andi %get3A_126, %and3A_128 : vector<16xi32>
        %shift_right_logical3A_130 = arith.constant 14 : i32
        %shift_right_logical3A_131 = vector.broadcast %shift_right_logical3A_130 : i32 to vector<16xi32>
        %shift_right_logical3A_132 = arith.shrui %get3A_126, %shift_right_logical3A_131 : vector<16xi32>
        %add3A_133 = arith.constant 0 : i32
        %add3A_134 = vector.broadcast %add3A_133 : i32 to vector<16xi32>
        %add3A_135 = arith.addi %and3A_129, %add3A_134 : vector<16xi32>
        %gather3A_136 = tpu.vector_load_idx %arg5[%add3A_135] : memref<40960xf32, #tpu.memory_space<vmem>>[vector<16xi32>], vector<16xf32>,
        %add3A_137 = arith.constant 0 : i32
        %add3A_138 = vector.broadcast %add3A_137 : i32 to vector<16xi32>
        %add3A_139 = arith.addi %shift_right_logical3A_132, %add3A_138 : vector<16xi32>
        tpu.vector_store_idx %arg6[%add3A_139], %gather3A_136 {add = true} : memref<40960xf32, #tpu.memory_space<vmem>>[vector<16xi32>], vector<16xf32>,
        %add3A_140 = arith.constant 10240 : i32
        %add3A_141 = vector.broadcast %add3A_140 : i32 to vector<16xi32>
        %add3A_142 = arith.addi %and3A_129, %add3A_141 : vector<16xi32>
        %gather3A_143 = tpu.vector_load_idx %arg5[%add3A_142] : memref<40960xf32, #tpu.memory_space<vmem>>[vector<16xi32>], vector<16xf32>,
        %add3A_144 = arith.constant 10240 : i32
        %add3A_145 = vector.broadcast %add3A_144 : i32 to vector<16xi32>
        %add3A_146 = arith.addi %shift_right_logical3A_132, %add3A_145 : vector<16xi32>
        tpu.vector_store_idx %arg6[%add3A_146], %gather3A_143 {add = true} : memref<40960xf32, #tpu.memory_space<vmem>>[vector<16xi32>], vector<16xf32>,
        %add3A_147 = arith.constant 20480 : i32
        %add3A_148 = vector.broadcast %add3A_147 : i32 to vector<16xi32>
        %add3A_149 = arith.addi %and3A_129, %add3A_148 : vector<16xi32>
        %gather3A_150 = tpu.vector_load_idx %arg5[%add3A_149] : memref<40960xf32, #tpu.memory_space<vmem>>[vector<16xi32>], vector<16xf32>,
        %add3A_151 = arith.constant 20480 : i32
        %add3A_152 = vector.broadcast %add3A_151 : i32 to vector<16xi32>
        %add3A_153 = arith.addi %shift_right_logical3A_132, %add3A_152 : vector<16xi32>
        tpu.vector_store_idx %arg6[%add3A_153], %gather3A_150 {add = true} : memref<40960xf32, #tpu.memory_space<vmem>>[vector<16xi32>], vector<16xf32>,
        %add3A_154 = arith.constant 30720 : i32
        %add3A_155 = vector.broadcast %add3A_154 : i32 to vector<16xi32>
        %add3A_156 = arith.addi %and3A_129, %add3A_155 : vector<16xi32>
        %gather3A_157 = tpu.vector_load_idx %arg5[%add3A_156] : memref<40960xf32, #tpu.memory_space<vmem>>[vector<16xi32>], vector<16xf32>,
        %add3A_158 = arith.constant 30720 : i32
        %add3A_159 = vector.broadcast %add3A_158 : i32 to vector<16xi32>
        %add3A_160 = arith.addi %shift_right_logical3A_132, %add3A_159 : vector<16xi32>
        tpu.vector_store_idx %arg6[%add3A_160], %gather3A_157 {add = true} : memref<40960xf32, #tpu.memory_space<vmem>>[vector<16xi32>], vector<16xf32>,
        %mul3A_161 = arith.constant 64 : i32
        %mul3A_162 = arith.muli %scan3A_44, %mul3A_161 : i32
        %add3A_163 = arith.constant 48 : i32
        %add3A_164 = arith.addi %mul3A_162, %add3A_163 : i32
        %get3A_165 = arith.index_cast %add3A_164 : i32 to index
        %get3A_166 = tpu.vector_load %arg8[%get3A_165] {strides = array<i32>} : memref<2048xi32, #tpu.memory_space<vmem>>, vector<16xi32>,
        %and3A_167 = arith.constant 16383 : i32
        %and3A_168 = vector.broadcast %and3A_167 : i32 to vector<16xi32>
        %and3A_169 = arith.andi %get3A_166, %and3A_168 : vector<16xi32>
        %shift_right_logical3A_170 = arith.constant 14 : i32
        %shift_right_logical3A_171 = vector.broadcast %shift_right_logical3A_170 : i32 to vector<16xi32>
        %shift_right_logical3A_172 = arith.shrui %get3A_166, %shift_right_logical3A_171 : vector<16xi32>
        %add3A_173 = arith.constant 0 : i32
        %add3A_174 = vector.broadcast %add3A_173 : i32 to vector<16xi32>
        %add3A_175 = arith.addi %and3A_169, %add3A_174 : vector<16xi32>
        %gather3A_176 = tpu.vector_load_idx %arg5[%add3A_175] : memref<40960xf32, #tpu.memory_space<vmem>>[vector<16xi32>], vector<16xf32>,
        %add3A_177 = arith.constant 0 : i32
        %add3A_178 = vector.broadcast %add3A_177 : i32 to vector<16xi32>
        %add3A_179 = arith.addi %shift_right_logical3A_172, %add3A_178 : vector<16xi32>
        tpu.vector_store_idx %arg6[%add3A_179], %gather3A_176 {add = true} : memref<40960xf32, #tpu.memory_space<vmem>>[vector<16xi32>], vector<16xf32>,
        %add3A_180 = arith.constant 10240 : i32
        %add3A_181 = vector.broadcast %add3A_180 : i32 to vector<16xi32>
        %add3A_182 = arith.addi %and3A_169, %add3A_181 : vector<16xi32>
        %gather3A_183 = tpu.vector_load_idx %arg5[%add3A_182] : memref<40960xf32, #tpu.memory_space<vmem>>[vector<16xi32>], vector<16xf32>,
        %add3A_184 = arith.constant 10240 : i32
        %add3A_185 = vector.broadcast %add3A_184 : i32 to vector<16xi32>
        %add3A_186 = arith.addi %shift_right_logical3A_172, %add3A_185 : vector<16xi32>
        tpu.vector_store_idx %arg6[%add3A_186], %gather3A_183 {add = true} : memref<40960xf32, #tpu.memory_space<vmem>>[vector<16xi32>], vector<16xf32>,
        %add3A_187 = arith.constant 20480 : i32
        %add3A_188 = vector.broadcast %add3A_187 : i32 to vector<16xi32>
        %add3A_189 = arith.addi %and3A_169, %add3A_188 : vector<16xi32>
        %gather3A_190 = tpu.vector_load_idx %arg5[%add3A_189] : memref<40960xf32, #tpu.memory_space<vmem>>[vector<16xi32>], vector<16xf32>,
        %add3A_191 = arith.constant 20480 : i32
        %add3A_192 = vector.broadcast %add3A_191 : i32 to vector<16xi32>
        %add3A_193 = arith.addi %shift_right_logical3A_172, %add3A_192 : vector<16xi32>
        tpu.vector_store_idx %arg6[%add3A_193], %gather3A_190 {add = true} : memref<40960xf32, #tpu.memory_space<vmem>>[vector<16xi32>], vector<16xf32>,
        %add3A_194 = arith.constant 30720 : i32
        %add3A_195 = vector.broadcast %add3A_194 : i32 to vector<16xi32>
        %add3A_196 = arith.addi %and3A_169, %add3A_195 : vector<16xi32>
        %gather3A_197 = tpu.vector_load_idx %arg5[%add3A_196] : memref<40960xf32, #tpu.memory_space<vmem>>[vector<16xi32>], vector<16xf32>,
        %add3A_198 = arith.constant 30720 : i32
        %add3A_199 = vector.broadcast %add3A_198 : i32 to vector<16xi32>
        %add3A_200 = arith.addi %shift_right_logical3A_172, %add3A_199 : vector<16xi32>
        tpu.vector_store_idx %arg6[%add3A_200], %gather3A_197 {add = true} : memref<40960xf32, #tpu.memory_space<vmem>>[vector<16xi32>], vector<16xf32>,
      }
      %scan3A_38 = arith.constant 32 : i32
      %lt3A_39 = arith.constant 79 : i32
      %lt3A_40 = arith.cmpi slt, %scan3A_15, %lt3A_39 : i32
      %convert_element_type3A_41 = arith.extui %lt3A_40 : i1 to i32
      %cond3A_42 = arith.constant 0 : i32
      %cond3A_43 = arith.cmpi ne, %convert_element_type3A_41, %cond3A_42 : i32
      scf.if %cond3A_43 {
        %add3A_44 = arith.constant 3 : i32
        %add3A_45 = arith.addi %mul3A_17, %add3A_44 : i32
        %mul3A_46 = arith.constant 2048 : i32
        %mul3A_47 = arith.muli %add3A_45, %mul3A_46 : i32
        %dma_start3A_48 = tpu.memref_slice %arg3[%mul3A_47] : memref<327680xi32, #tpu.memory_space<hbm>> -> memref<2048xi32, #tpu.memory_space<hbm>>
        %dma_start3A_49 = tpu.memref_slice %arg3[%mul3A_47] : memref<327680xi32, #tpu.memory_space<hbm>> -> memref<2048xi32, #tpu.memory_space<hbm>>
        tpu.enqueue_dma source(%dma_start3A_49 : memref<2048xi32, #tpu.memory_space<hbm>>) target(%arg8 : memref<2048xi32, #tpu.memory_space<vmem>>) target_semaphore(%arg10 : memref<!tpu.dma_semaphore, #tpu.memory_space<semaphore_mem>>)
      } else {
      }
    }
    %scan3A_14 = arith.constant 80 : i32
    "tpu.region"() ({
      %run_scoped3A = tpu.sem_alloc : memref<!tpu.dma_semaphore, #tpu.memory_space<semaphore_mem>>
      %dma_start3A_15 = tpu.memref_slice %arg4[%mul3A_2] : memref<1310720xf32, #tpu.memory_space<hbm>> -> memref<40960xf32, #tpu.memory_space<hbm>>
      %dma_start3A_16 = tpu.memref_slice %arg4[%mul3A_2] : memref<1310720xf32, #tpu.memory_space<hbm>> -> memref<40960xf32, #tpu.memory_space<hbm>>
      tpu.enqueue_dma source(%arg6 : memref<40960xf32, #tpu.memory_space<vmem>>) target(%dma_start3A_16 : memref<40960xf32, #tpu.memory_space<hbm>>) target_semaphore(%run_scoped3A : memref<!tpu.dma_semaphore, #tpu.memory_space<semaphore_mem>>)
      %dma_wait3A = tpu.memref_slice %arg4[%mul3A_2] : memref<1310720xf32, #tpu.memory_space<hbm>> -> memref<40960xf32, #tpu.memory_space<hbm>>
      %dma_wait3A_17 = tpu.memref_slice %arg4[%mul3A_2] : memref<1310720xf32, #tpu.memory_space<hbm>> -> memref<40960xf32, #tpu.memory_space<hbm>>
      tpu.wait_dma2 semaphore(%run_scoped3A : memref<!tpu.dma_semaphore, #tpu.memory_space<semaphore_mem>>) src(%arg6 : memref<40960xf32, #tpu.memory_space<vmem>>) dst(%dma_wait3A_17 : memref<40960xf32, #tpu.memory_space<hbm>>)
      tpu.yield
    }) : () -> ()
    return
  }
}

#map = affine_map<(d0, d1) -> (0)>
module attributes {stable_mosaic.version = 14 : i64} {
  func.func @_sc_aggregate(%arg0: i32, %arg1: i32, %arg2: memref<1310720xf32, #tpu.memory_space<hbm>>, %arg3: memref<327680xi32, #tpu.memory_space<hbm>>, %arg4: memref<1310720xf32, #tpu.memory_space<hbm>>, %arg5: memref<40960xf32, #tpu.memory_space<vmem>>, %arg6: memref<40960xf32, #tpu.memory_space<vmem>>, %arg7: memref<2048xi32, #tpu.memory_space<vmem>>, %arg8: memref<2048xi32, #tpu.memory_space<vmem>>, %arg9: memref<!tpu.dma_semaphore, #tpu.memory_space<semaphore_mem>>, %arg10: memref<!tpu.dma_semaphore, #tpu.memory_space<semaphore_mem>>) attributes {dimension_semantics = [#tpu.dimension_semantics<core_parallel>, #tpu.dimension_semantics<subcore_parallel>], iteration_bounds = array<i64: 2, 16>, scalar_prefetch = 0 : i64, scratch_operands = 6 : i64, tpu.core_type = #tpu.core_type<sc_vector_subcore>, window_params = [{transform_indices = #map}, {transform_indices = #map}, {transform_indices = #map}]} {
    %mul3A = arith.constant 16 : i32
    %mul3A_0 = arith.muli %arg0, %mul3A : i32
    %add3A = arith.addi %mul3A_0, %arg1 : i32
    %mul3A_1 = arith.constant 40960 : i32
    %mul3A_2 = arith.muli %add3A, %mul3A_1 : i32
    "tpu.region"() ({
      %run_scoped3A = tpu.sem_alloc : memref<!tpu.dma_semaphore, #tpu.memory_space<semaphore_mem>>
      %dma_start3A_15 = tpu.memref_slice %arg2[%mul3A_2] : memref<1310720xf32, #tpu.memory_space<hbm>> -> memref<40960xf32, #tpu.memory_space<hbm>>
      %dma_start3A_16 = tpu.memref_slice %arg2[%mul3A_2] : memref<1310720xf32, #tpu.memory_space<hbm>> -> memref<40960xf32, #tpu.memory_space<hbm>>
      tpu.enqueue_dma source(%dma_start3A_16 : memref<40960xf32, #tpu.memory_space<hbm>>) target(%arg5 : memref<40960xf32, #tpu.memory_space<vmem>>) target_semaphore(%run_scoped3A : memref<!tpu.dma_semaphore, #tpu.memory_space<semaphore_mem>>)
      %dma_wait3A = tpu.memref_slice %arg2[%mul3A_2] : memref<1310720xf32, #tpu.memory_space<hbm>> -> memref<40960xf32, #tpu.memory_space<hbm>>
      %dma_wait3A_17 = tpu.memref_slice %arg2[%mul3A_2] : memref<1310720xf32, #tpu.memory_space<hbm>> -> memref<40960xf32, #tpu.memory_space<hbm>>
      tpu.wait_dma2 semaphore(%run_scoped3A : memref<!tpu.dma_semaphore, #tpu.memory_space<semaphore_mem>>) src(%dma_wait3A_17 : memref<40960xf32, #tpu.memory_space<hbm>>) dst(%arg5 : memref<40960xf32, #tpu.memory_space<vmem>>)
      tpu.yield
    }) : () -> ()
    "tpu.region"() ({
      %run_scoped3A = tpu.sem_alloc : memref<!tpu.dma_semaphore, #tpu.memory_space<semaphore_mem>>
      %dma_start3A_15 = tpu.memref_slice %arg2[%mul3A_2] : memref<1310720xf32, #tpu.memory_space<hbm>> -> memref<40960xf32, #tpu.memory_space<hbm>>
      %dma_start3A_16 = tpu.memref_slice %arg2[%mul3A_2] : memref<1310720xf32, #tpu.memory_space<hbm>> -> memref<40960xf32, #tpu.memory_space<hbm>>
      tpu.enqueue_dma source(%dma_start3A_16 : memref<40960xf32, #tpu.memory_space<hbm>>) target(%arg6 : memref<40960xf32, #tpu.memory_space<vmem>>) target_semaphore(%run_scoped3A : memref<!tpu.dma_semaphore, #tpu.memory_space<semaphore_mem>>)
      %dma_wait3A = tpu.memref_slice %arg2[%mul3A_2] : memref<1310720xf32, #tpu.memory_space<hbm>> -> memref<40960xf32, #tpu.memory_space<hbm>>
      %dma_wait3A_17 = tpu.memref_slice %arg2[%mul3A_2] : memref<1310720xf32, #tpu.memory_space<hbm>> -> memref<40960xf32, #tpu.memory_space<hbm>>
      tpu.wait_dma2 semaphore(%run_scoped3A : memref<!tpu.dma_semaphore, #tpu.memory_space<semaphore_mem>>) src(%dma_wait3A_17 : memref<40960xf32, #tpu.memory_space<hbm>>) dst(%arg6 : memref<40960xf32, #tpu.memory_space<vmem>>)
      tpu.yield
    }) : () -> ()
    %dma_start3A = arith.constant 0 : i32
    %dma_start3A_3 = tpu.memref_slice %arg3[%dma_start3A] : memref<327680xi32, #tpu.memory_space<hbm>> -> memref<2048xi32, #tpu.memory_space<hbm>>
    %dma_start3A_4 = arith.constant 0 : i32
    %dma_start3A_5 = tpu.memref_slice %arg3[%dma_start3A_4] : memref<327680xi32, #tpu.memory_space<hbm>> -> memref<2048xi32, #tpu.memory_space<hbm>>
    tpu.enqueue_dma source(%dma_start3A_5 : memref<2048xi32, #tpu.memory_space<hbm>>) target(%arg7 : memref<2048xi32, #tpu.memory_space<vmem>>) target_semaphore(%arg9 : memref<!tpu.dma_semaphore, #tpu.memory_space<semaphore_mem>>)
    %dma_start3A_6 = arith.constant 2048 : i32
    %dma_start3A_7 = tpu.memref_slice %arg3[%dma_start3A_6] : memref<327680xi32, #tpu.memory_space<hbm>> -> memref<2048xi32, #tpu.memory_space<hbm>>
    %dma_start3A_8 = arith.constant 2048 : i32
    %dma_start3A_9 = tpu.memref_slice %arg3[%dma_start3A_8] : memref<327680xi32, #tpu.memory_space<hbm>> -> memref<2048xi32, #tpu.memory_space<hbm>>
    tpu.enqueue_dma source(%dma_start3A_9 : memref<2048xi32, #tpu.memory_space<hbm>>) target(%arg8 : memref<2048xi32, #tpu.memory_space<vmem>>) target_semaphore(%arg10 : memref<!tpu.dma_semaphore, #tpu.memory_space<semaphore_mem>>)
    %scan3A = arith.constant 0 : i32
    %scan3A_10 = arith.constant 0 : i32
    %scan3A_11 = arith.constant 80 : i32
    %scan3A_12 = arith.addi %scan3A_10, %scan3A_11 : i32
    %scan3A_13 = arith.constant 1 : i32
    scf.for %scan3A_15 = %scan3A_10 to %scan3A_12 step %scan3A_13  : i32 {
      %mul3A_16 = arith.constant 2 : i32
      %mul3A_17 = arith.muli %mul3A_16, %scan3A_15 : i32
      %dma_wait3A = arith.constant 0 : i32
      %dma_wait3A_18 = tpu.memref_slice %arg3[%dma_wait3A] : memref<327680xi32, #tpu.memory_space<hbm>> -> memref<2048xi32, #tpu.memory_space<hbm>>
      %dma_wait3A_19 = arith.constant 0 : i32
      %dma_wait3A_20 = tpu.memref_slice %arg3[%dma_wait3A_19] : memref<327680xi32, #tpu.memory_space<hbm>> -> memref<2048xi32, #tpu.memory_space<hbm>>
      tpu.wait_dma2 semaphore(%arg9 : memref<!tpu.dma_semaphore, #tpu.memory_space<semaphore_mem>>) src(%dma_wait3A_20 : memref<2048xi32, #tpu.memory_space<hbm>>) dst(%arg7 : memref<2048xi32, #tpu.memory_space<vmem>>)
      %scan3A_21 = arith.constant 0 : i32
      %scan3A_22 = arith.constant 0 : i32
      %scan3A_23 = arith.constant 32 : i32
      %scan3A_24 = arith.addi %scan3A_22, %scan3A_23 : i32
      %scan3A_25 = arith.constant 1 : i32
      scf.for %scan3A_44 = %scan3A_22 to %scan3A_24 step %scan3A_25  : i32 {
        %mul3A_45 = arith.constant 64 : i32
        %mul3A_46 = arith.muli %scan3A_44, %mul3A_45 : i32
        %add3A_47 = arith.constant 0 : i32
        %add3A_48 = arith.addi %mul3A_46, %add3A_47 : i32
        %get3A = arith.index_cast %add3A_48 : i32 to index
        %get3A_49 = tpu.vector_load %arg7[%get3A] {strides = array<i32>} : memref<2048xi32, #tpu.memory_space<vmem>>, vector<16xi32>,
        %and3A = arith.constant 16383 : i32
        %and3A_50 = vector.broadcast %and3A : i32 to vector<16xi32>
        %and3A_51 = arith.andi %get3A_49, %and3A_50 : vector<16xi32>
        %shift_right_logical3A = arith.constant 14 : i32
        %shift_right_logical3A_52 = vector.broadcast %shift_right_logical3A : i32 to vector<16xi32>
        %shift_right_logical3A_53 = arith.shrui %get3A_49, %shift_right_logical3A_52 : vector<16xi32>
        %add3A_54 = arith.constant 0 : i32
        %add3A_55 = vector.broadcast %add3A_54 : i32 to vector<16xi32>
        %add3A_56 = arith.addi %and3A_51, %add3A_55 : vector<16xi32>
        %gather3A = tpu.vector_load_idx %arg5[%add3A_56] : memref<40960xf32, #tpu.memory_space<vmem>>[vector<16xi32>], vector<16xf32>,
        %add3A_57 = arith.constant 0 : i32
        %add3A_58 = vector.broadcast %add3A_57 : i32 to vector<16xi32>
        %add3A_59 = arith.addi %shift_right_logical3A_53, %add3A_58 : vector<16xi32>
        tpu.vector_store_idx %arg6[%add3A_59], %gather3A {add = true} : memref<40960xf32, #tpu.memory_space<vmem>>[vector<16xi32>], vector<16xf32>,
        %add3A_60 = arith.constant 10240 : i32
        %add3A_61 = vector.broadcast %add3A_60 : i32 to vector<16xi32>
        %add3A_62 = arith.addi %and3A_51, %add3A_61 : vector<16xi32>
        %gather3A_63 = tpu.vector_load_idx %arg5[%add3A_62] : memref<40960xf32, #tpu.memory_space<vmem>>[vector<16xi32>], vector<16xf32>,
        %add3A_64 = arith.constant 10240 : i32
        %add3A_65 = vector.broadcast %add3A_64 : i32 to vector<16xi32>
        %add3A_66 = arith.addi %shift_right_logical3A_53, %add3A_65 : vector<16xi32>
        tpu.vector_store_idx %arg6[%add3A_66], %gather3A_63 {add = true} : memref<40960xf32, #tpu.memory_space<vmem>>[vector<16xi32>], vector<16xf32>,
        %add3A_67 = arith.constant 20480 : i32
        %add3A_68 = vector.broadcast %add3A_67 : i32 to vector<16xi32>
        %add3A_69 = arith.addi %and3A_51, %add3A_68 : vector<16xi32>
        %gather3A_70 = tpu.vector_load_idx %arg5[%add3A_69] : memref<40960xf32, #tpu.memory_space<vmem>>[vector<16xi32>], vector<16xf32>,
        %add3A_71 = arith.constant 20480 : i32
        %add3A_72 = vector.broadcast %add3A_71 : i32 to vector<16xi32>
        %add3A_73 = arith.addi %shift_right_logical3A_53, %add3A_72 : vector<16xi32>
        tpu.vector_store_idx %arg6[%add3A_73], %gather3A_70 {add = true} : memref<40960xf32, #tpu.memory_space<vmem>>[vector<16xi32>], vector<16xf32>,
        %add3A_74 = arith.constant 30720 : i32
        %add3A_75 = vector.broadcast %add3A_74 : i32 to vector<16xi32>
        %add3A_76 = arith.addi %and3A_51, %add3A_75 : vector<16xi32>
        %gather3A_77 = tpu.vector_load_idx %arg5[%add3A_76] : memref<40960xf32, #tpu.memory_space<vmem>>[vector<16xi32>], vector<16xf32>,
        %add3A_78 = arith.constant 30720 : i32
        %add3A_79 = vector.broadcast %add3A_78 : i32 to vector<16xi32>
        %add3A_80 = arith.addi %shift_right_logical3A_53, %add3A_79 : vector<16xi32>
        tpu.vector_store_idx %arg6[%add3A_80], %gather3A_77 {add = true} : memref<40960xf32, #tpu.memory_space<vmem>>[vector<16xi32>], vector<16xf32>,
        %mul3A_81 = arith.constant 64 : i32
        %mul3A_82 = arith.muli %scan3A_44, %mul3A_81 : i32
        %add3A_83 = arith.constant 16 : i32
        %add3A_84 = arith.addi %mul3A_82, %add3A_83 : i32
        %get3A_85 = arith.index_cast %add3A_84 : i32 to index
        %get3A_86 = tpu.vector_load %arg7[%get3A_85] {strides = array<i32>} : memref<2048xi32, #tpu.memory_space<vmem>>, vector<16xi32>,
        %and3A_87 = arith.constant 16383 : i32
        %and3A_88 = vector.broadcast %and3A_87 : i32 to vector<16xi32>
        %and3A_89 = arith.andi %get3A_86, %and3A_88 : vector<16xi32>
        %shift_right_logical3A_90 = arith.constant 14 : i32
        %shift_right_logical3A_91 = vector.broadcast %shift_right_logical3A_90 : i32 to vector<16xi32>
        %shift_right_logical3A_92 = arith.shrui %get3A_86, %shift_right_logical3A_91 : vector<16xi32>
        %add3A_93 = arith.constant 0 : i32
        %add3A_94 = vector.broadcast %add3A_93 : i32 to vector<16xi32>
        %add3A_95 = arith.addi %and3A_89, %add3A_94 : vector<16xi32>
        %gather3A_96 = tpu.vector_load_idx %arg5[%add3A_95] : memref<40960xf32, #tpu.memory_space<vmem>>[vector<16xi32>], vector<16xf32>,
        %add3A_97 = arith.constant 0 : i32
        %add3A_98 = vector.broadcast %add3A_97 : i32 to vector<16xi32>
        %add3A_99 = arith.addi %shift_right_logical3A_92, %add3A_98 : vector<16xi32>
        tpu.vector_store_idx %arg6[%add3A_99], %gather3A_96 {add = true} : memref<40960xf32, #tpu.memory_space<vmem>>[vector<16xi32>], vector<16xf32>,
        %add3A_100 = arith.constant 10240 : i32
        %add3A_101 = vector.broadcast %add3A_100 : i32 to vector<16xi32>
        %add3A_102 = arith.addi %and3A_89, %add3A_101 : vector<16xi32>
        %gather3A_103 = tpu.vector_load_idx %arg5[%add3A_102] : memref<40960xf32, #tpu.memory_space<vmem>>[vector<16xi32>], vector<16xf32>,
        %add3A_104 = arith.constant 10240 : i32
        %add3A_105 = vector.broadcast %add3A_104 : i32 to vector<16xi32>
        %add3A_106 = arith.addi %shift_right_logical3A_92, %add3A_105 : vector<16xi32>
        tpu.vector_store_idx %arg6[%add3A_106], %gather3A_103 {add = true} : memref<40960xf32, #tpu.memory_space<vmem>>[vector<16xi32>], vector<16xf32>,
        %add3A_107 = arith.constant 20480 : i32
        %add3A_108 = vector.broadcast %add3A_107 : i32 to vector<16xi32>
        %add3A_109 = arith.addi %and3A_89, %add3A_108 : vector<16xi32>
        %gather3A_110 = tpu.vector_load_idx %arg5[%add3A_109] : memref<40960xf32, #tpu.memory_space<vmem>>[vector<16xi32>], vector<16xf32>,
        %add3A_111 = arith.constant 20480 : i32
        %add3A_112 = vector.broadcast %add3A_111 : i32 to vector<16xi32>
        %add3A_113 = arith.addi %shift_right_logical3A_92, %add3A_112 : vector<16xi32>
        tpu.vector_store_idx %arg6[%add3A_113], %gather3A_110 {add = true} : memref<40960xf32, #tpu.memory_space<vmem>>[vector<16xi32>], vector<16xf32>,
        %add3A_114 = arith.constant 30720 : i32
        %add3A_115 = vector.broadcast %add3A_114 : i32 to vector<16xi32>
        %add3A_116 = arith.addi %and3A_89, %add3A_115 : vector<16xi32>
        %gather3A_117 = tpu.vector_load_idx %arg5[%add3A_116] : memref<40960xf32, #tpu.memory_space<vmem>>[vector<16xi32>], vector<16xf32>,
        %add3A_118 = arith.constant 30720 : i32
        %add3A_119 = vector.broadcast %add3A_118 : i32 to vector<16xi32>
        %add3A_120 = arith.addi %shift_right_logical3A_92, %add3A_119 : vector<16xi32>
        tpu.vector_store_idx %arg6[%add3A_120], %gather3A_117 {add = true} : memref<40960xf32, #tpu.memory_space<vmem>>[vector<16xi32>], vector<16xf32>,
        %mul3A_121 = arith.constant 64 : i32
        %mul3A_122 = arith.muli %scan3A_44, %mul3A_121 : i32
        %add3A_123 = arith.constant 32 : i32
        %add3A_124 = arith.addi %mul3A_122, %add3A_123 : i32
        %get3A_125 = arith.index_cast %add3A_124 : i32 to index
        %get3A_126 = tpu.vector_load %arg7[%get3A_125] {strides = array<i32>} : memref<2048xi32, #tpu.memory_space<vmem>>, vector<16xi32>,
        %and3A_127 = arith.constant 16383 : i32
        %and3A_128 = vector.broadcast %and3A_127 : i32 to vector<16xi32>
        %and3A_129 = arith.andi %get3A_126, %and3A_128 : vector<16xi32>
        %shift_right_logical3A_130 = arith.constant 14 : i32
        %shift_right_logical3A_131 = vector.broadcast %shift_right_logical3A_130 : i32 to vector<16xi32>
        %shift_right_logical3A_132 = arith.shrui %get3A_126, %shift_right_logical3A_131 : vector<16xi32>
        %add3A_133 = arith.constant 0 : i32
        %add3A_134 = vector.broadcast %add3A_133 : i32 to vector<16xi32>
        %add3A_135 = arith.addi %and3A_129, %add3A_134 : vector<16xi32>
        %gather3A_136 = tpu.vector_load_idx %arg5[%add3A_135] : memref<40960xf32, #tpu.memory_space<vmem>>[vector<16xi32>], vector<16xf32>,
        %add3A_137 = arith.constant 0 : i32
        %add3A_138 = vector.broadcast %add3A_137 : i32 to vector<16xi32>
        %add3A_139 = arith.addi %shift_right_logical3A_132, %add3A_138 : vector<16xi32>
        tpu.vector_store_idx %arg6[%add3A_139], %gather3A_136 {add = true} : memref<40960xf32, #tpu.memory_space<vmem>>[vector<16xi32>], vector<16xf32>,
        %add3A_140 = arith.constant 10240 : i32
        %add3A_141 = vector.broadcast %add3A_140 : i32 to vector<16xi32>
        %add3A_142 = arith.addi %and3A_129, %add3A_141 : vector<16xi32>
        %gather3A_143 = tpu.vector_load_idx %arg5[%add3A_142] : memref<40960xf32, #tpu.memory_space<vmem>>[vector<16xi32>], vector<16xf32>,
        %add3A_144 = arith.constant 10240 : i32
        %add3A_145 = vector.broadcast %add3A_144 : i32 to vector<16xi32>
        %add3A_146 = arith.addi %shift_right_logical3A_132, %add3A_145 : vector<16xi32>
        tpu.vector_store_idx %arg6[%add3A_146], %gather3A_143 {add = true} : memref<40960xf32, #tpu.memory_space<vmem>>[vector<16xi32>], vector<16xf32>,
        %add3A_147 = arith.constant 20480 : i32
        %add3A_148 = vector.broadcast %add3A_147 : i32 to vector<16xi32>
        %add3A_149 = arith.addi %and3A_129, %add3A_148 : vector<16xi32>
        %gather3A_150 = tpu.vector_load_idx %arg5[%add3A_149] : memref<40960xf32, #tpu.memory_space<vmem>>[vector<16xi32>], vector<16xf32>,
        %add3A_151 = arith.constant 20480 : i32
        %add3A_152 = vector.broadcast %add3A_151 : i32 to vector<16xi32>
        %add3A_153 = arith.addi %shift_right_logical3A_132, %add3A_152 : vector<16xi32>
        tpu.vector_store_idx %arg6[%add3A_153], %gather3A_150 {add = true} : memref<40960xf32, #tpu.memory_space<vmem>>[vector<16xi32>], vector<16xf32>,
        %add3A_154 = arith.constant 30720 : i32
        %add3A_155 = vector.broadcast %add3A_154 : i32 to vector<16xi32>
        %add3A_156 = arith.addi %and3A_129, %add3A_155 : vector<16xi32>
        %gather3A_157 = tpu.vector_load_idx %arg5[%add3A_156] : memref<40960xf32, #tpu.memory_space<vmem>>[vector<16xi32>], vector<16xf32>,
        %add3A_158 = arith.constant 30720 : i32
        %add3A_159 = vector.broadcast %add3A_158 : i32 to vector<16xi32>
        %add3A_160 = arith.addi %shift_right_logical3A_132, %add3A_159 : vector<16xi32>
        tpu.vector_store_idx %arg6[%add3A_160], %gather3A_157 {add = true} : memref<40960xf32, #tpu.memory_space<vmem>>[vector<16xi32>], vector<16xf32>,
        %mul3A_161 = arith.constant 64 : i32
        %mul3A_162 = arith.muli %scan3A_44, %mul3A_161 : i32
        %add3A_163 = arith.constant 48 : i32
        %add3A_164 = arith.addi %mul3A_162, %add3A_163 : i32
        %get3A_165 = arith.index_cast %add3A_164 : i32 to index
        %get3A_166 = tpu.vector_load %arg7[%get3A_165] {strides = array<i32>} : memref<2048xi32, #tpu.memory_space<vmem>>, vector<16xi32>,
        %and3A_167 = arith.constant 16383 : i32
        %and3A_168 = vector.broadcast %and3A_167 : i32 to vector<16xi32>
        %and3A_169 = arith.andi %get3A_166, %and3A_168 : vector<16xi32>
        %shift_right_logical3A_170 = arith.constant 14 : i32
        %shift_right_logical3A_171 = vector.broadcast %shift_right_logical3A_170 : i32 to vector<16xi32>
        %shift_right_logical3A_172 = arith.shrui %get3A_166, %shift_right_logical3A_171 : vector<16xi32>
        %add3A_173 = arith.constant 0 : i32
        %add3A_174 = vector.broadcast %add3A_173 : i32 to vector<16xi32>
        %add3A_175 = arith.addi %and3A_169, %add3A_174 : vector<16xi32>
        %gather3A_176 = tpu.vector_load_idx %arg5[%add3A_175] : memref<40960xf32, #tpu.memory_space<vmem>>[vector<16xi32>], vector<16xf32>,
        %add3A_177 = arith.constant 0 : i32
        %add3A_178 = vector.broadcast %add3A_177 : i32 to vector<16xi32>
        %add3A_179 = arith.addi %shift_right_logical3A_172, %add3A_178 : vector<16xi32>
        tpu.vector_store_idx %arg6[%add3A_179], %gather3A_176 {add = true} : memref<40960xf32, #tpu.memory_space<vmem>>[vector<16xi32>], vector<16xf32>,
        %add3A_180 = arith.constant 10240 : i32
        %add3A_181 = vector.broadcast %add3A_180 : i32 to vector<16xi32>
        %add3A_182 = arith.addi %and3A_169, %add3A_181 : vector<16xi32>
        %gather3A_183 = tpu.vector_load_idx %arg5[%add3A_182] : memref<40960xf32, #tpu.memory_space<vmem>>[vector<16xi32>], vector<16xf32>,
        %add3A_184 = arith.constant 10240 : i32
        %add3A_185 = vector.broadcast %add3A_184 : i32 to vector<16xi32>
        %add3A_186 = arith.addi %shift_right_logical3A_172, %add3A_185 : vector<16xi32>
        tpu.vector_store_idx %arg6[%add3A_186], %gather3A_183 {add = true} : memref<40960xf32, #tpu.memory_space<vmem>>[vector<16xi32>], vector<16xf32>,
        %add3A_187 = arith.constant 20480 : i32
        %add3A_188 = vector.broadcast %add3A_187 : i32 to vector<16xi32>
        %add3A_189 = arith.addi %and3A_169, %add3A_188 : vector<16xi32>
        %gather3A_190 = tpu.vector_load_idx %arg5[%add3A_189] : memref<40960xf32, #tpu.memory_space<vmem>>[vector<16xi32>], vector<16xf32>,
        %add3A_191 = arith.constant 20480 : i32
        %add3A_192 = vector.broadcast %add3A_191 : i32 to vector<16xi32>
        %add3A_193 = arith.addi %shift_right_logical3A_172, %add3A_192 : vector<16xi32>
        tpu.vector_store_idx %arg6[%add3A_193], %gather3A_190 {add = true} : memref<40960xf32, #tpu.memory_space<vmem>>[vector<16xi32>], vector<16xf32>,
        %add3A_194 = arith.constant 30720 : i32
        %add3A_195 = vector.broadcast %add3A_194 : i32 to vector<16xi32>
        %add3A_196 = arith.addi %and3A_169, %add3A_195 : vector<16xi32>
        %gather3A_197 = tpu.vector_load_idx %arg5[%add3A_196] : memref<40960xf32, #tpu.memory_space<vmem>>[vector<16xi32>], vector<16xf32>,
        %add3A_198 = arith.constant 30720 : i32
        %add3A_199 = vector.broadcast %add3A_198 : i32 to vector<16xi32>
        %add3A_200 = arith.addi %shift_right_logical3A_172, %add3A_199 : vector<16xi32>
        tpu.vector_store_idx %arg6[%add3A_200], %gather3A_197 {add = true} : memref<40960xf32, #tpu.memory_space<vmem>>[vector<16xi32>], vector<16xf32>,
      }
      %scan3A_26 = arith.constant 32 : i32
      %lt3A = arith.constant 79 : i32
      %lt3A_27 = arith.cmpi slt, %scan3A_15, %lt3A : i32
      %convert_element_type3A = arith.extui %lt3A_27 : i1 to i32
      %cond3A = arith.constant 0 : i32
      %cond3A_28 = arith.cmpi ne, %convert_element_type3A, %cond3A : i32
      scf.if %cond3A_28 {
        %add3A_44 = arith.constant 2 : i32
        %add3A_45 = arith.addi %mul3A_17, %add3A_44 : i32
        %mul3A_46 = arith.constant 2048 : i32
        %mul3A_47 = arith.muli %add3A_45, %mul3A_46 : i32
        %dma_start3A_48 = tpu.memref_slice %arg3[%mul3A_47] : memref<327680xi32, #tpu.memory_space<hbm>> -> memref<2048xi32, #tpu.memory_space<hbm>>
        %dma_start3A_49 = tpu.memref_slice %arg3[%mul3A_47] : memref<327680xi32, #tpu.memory_space<hbm>> -> memref<2048xi32, #tpu.memory_space<hbm>>
        tpu.enqueue_dma source(%dma_start3A_49 : memref<2048xi32, #tpu.memory_space<hbm>>) target(%arg7 : memref<2048xi32, #tpu.memory_space<vmem>>) target_semaphore(%arg9 : memref<!tpu.dma_semaphore, #tpu.memory_space<semaphore_mem>>)
      } else {
      }
      %dma_wait3A_29 = arith.constant 0 : i32
      %dma_wait3A_30 = tpu.memref_slice %arg3[%dma_wait3A_29] : memref<327680xi32, #tpu.memory_space<hbm>> -> memref<2048xi32, #tpu.memory_space<hbm>>
      %dma_wait3A_31 = arith.constant 0 : i32
      %dma_wait3A_32 = tpu.memref_slice %arg3[%dma_wait3A_31] : memref<327680xi32, #tpu.memory_space<hbm>> -> memref<2048xi32, #tpu.memory_space<hbm>>
      tpu.wait_dma2 semaphore(%arg10 : memref<!tpu.dma_semaphore, #tpu.memory_space<semaphore_mem>>) src(%dma_wait3A_32 : memref<2048xi32, #tpu.memory_space<hbm>>) dst(%arg8 : memref<2048xi32, #tpu.memory_space<vmem>>)
      %scan3A_33 = arith.constant 0 : i32
      %scan3A_34 = arith.constant 0 : i32
      %scan3A_35 = arith.constant 32 : i32
      %scan3A_36 = arith.addi %scan3A_34, %scan3A_35 : i32
      %scan3A_37 = arith.constant 1 : i32
      scf.for %scan3A_44 = %scan3A_34 to %scan3A_36 step %scan3A_37  : i32 {
        %mul3A_45 = arith.constant 64 : i32
        %mul3A_46 = arith.muli %scan3A_44, %mul3A_45 : i32
        %add3A_47 = arith.constant 0 : i32
        %add3A_48 = arith.addi %mul3A_46, %add3A_47 : i32
        %get3A = arith.index_cast %add3A_48 : i32 to index
        %get3A_49 = tpu.vector_load %arg8[%get3A] {strides = array<i32>} : memref<2048xi32, #tpu.memory_space<vmem>>, vector<16xi32>,
        %and3A = arith.constant 16383 : i32
        %and3A_50 = vector.broadcast %and3A : i32 to vector<16xi32>
        %and3A_51 = arith.andi %get3A_49, %and3A_50 : vector<16xi32>
        %shift_right_logical3A = arith.constant 14 : i32
        %shift_right_logical3A_52 = vector.broadcast %shift_right_logical3A : i32 to vector<16xi32>
        %shift_right_logical3A_53 = arith.shrui %get3A_49, %shift_right_logical3A_52 : vector<16xi32>
        %add3A_54 = arith.constant 0 : i32
        %add3A_55 = vector.broadcast %add3A_54 : i32 to vector<16xi32>
        %add3A_56 = arith.addi %and3A_51, %add3A_55 : vector<16xi32>
        %gather3A = tpu.vector_load_idx %arg5[%add3A_56] : memref<40960xf32, #tpu.memory_space<vmem>>[vector<16xi32>], vector<16xf32>,
        %add3A_57 = arith.constant 0 : i32
        %add3A_58 = vector.broadcast %add3A_57 : i32 to vector<16xi32>
        %add3A_59 = arith.addi %shift_right_logical3A_53, %add3A_58 : vector<16xi32>
        tpu.vector_store_idx %arg6[%add3A_59], %gather3A {add = true} : memref<40960xf32, #tpu.memory_space<vmem>>[vector<16xi32>], vector<16xf32>,
        %add3A_60 = arith.constant 10240 : i32
        %add3A_61 = vector.broadcast %add3A_60 : i32 to vector<16xi32>
        %add3A_62 = arith.addi %and3A_51, %add3A_61 : vector<16xi32>
        %gather3A_63 = tpu.vector_load_idx %arg5[%add3A_62] : memref<40960xf32, #tpu.memory_space<vmem>>[vector<16xi32>], vector<16xf32>,
        %add3A_64 = arith.constant 10240 : i32
        %add3A_65 = vector.broadcast %add3A_64 : i32 to vector<16xi32>
        %add3A_66 = arith.addi %shift_right_logical3A_53, %add3A_65 : vector<16xi32>
        tpu.vector_store_idx %arg6[%add3A_66], %gather3A_63 {add = true} : memref<40960xf32, #tpu.memory_space<vmem>>[vector<16xi32>], vector<16xf32>,
        %add3A_67 = arith.constant 20480 : i32
        %add3A_68 = vector.broadcast %add3A_67 : i32 to vector<16xi32>
        %add3A_69 = arith.addi %and3A_51, %add3A_68 : vector<16xi32>
        %gather3A_70 = tpu.vector_load_idx %arg5[%add3A_69] : memref<40960xf32, #tpu.memory_space<vmem>>[vector<16xi32>], vector<16xf32>,
        %add3A_71 = arith.constant 20480 : i32
        %add3A_72 = vector.broadcast %add3A_71 : i32 to vector<16xi32>
        %add3A_73 = arith.addi %shift_right_logical3A_53, %add3A_72 : vector<16xi32>
        tpu.vector_store_idx %arg6[%add3A_73], %gather3A_70 {add = true} : memref<40960xf32, #tpu.memory_space<vmem>>[vector<16xi32>], vector<16xf32>,
        %add3A_74 = arith.constant 30720 : i32
        %add3A_75 = vector.broadcast %add3A_74 : i32 to vector<16xi32>
        %add3A_76 = arith.addi %and3A_51, %add3A_75 : vector<16xi32>
        %gather3A_77 = tpu.vector_load_idx %arg5[%add3A_76] : memref<40960xf32, #tpu.memory_space<vmem>>[vector<16xi32>], vector<16xf32>,
        %add3A_78 = arith.constant 30720 : i32
        %add3A_79 = vector.broadcast %add3A_78 : i32 to vector<16xi32>
        %add3A_80 = arith.addi %shift_right_logical3A_53, %add3A_79 : vector<16xi32>
        tpu.vector_store_idx %arg6[%add3A_80], %gather3A_77 {add = true} : memref<40960xf32, #tpu.memory_space<vmem>>[vector<16xi32>], vector<16xf32>,
        %mul3A_81 = arith.constant 64 : i32
        %mul3A_82 = arith.muli %scan3A_44, %mul3A_81 : i32
        %add3A_83 = arith.constant 16 : i32
        %add3A_84 = arith.addi %mul3A_82, %add3A_83 : i32
        %get3A_85 = arith.index_cast %add3A_84 : i32 to index
        %get3A_86 = tpu.vector_load %arg8[%get3A_85] {strides = array<i32>} : memref<2048xi32, #tpu.memory_space<vmem>>, vector<16xi32>,
        %and3A_87 = arith.constant 16383 : i32
        %and3A_88 = vector.broadcast %and3A_87 : i32 to vector<16xi32>
        %and3A_89 = arith.andi %get3A_86, %and3A_88 : vector<16xi32>
        %shift_right_logical3A_90 = arith.constant 14 : i32
        %shift_right_logical3A_91 = vector.broadcast %shift_right_logical3A_90 : i32 to vector<16xi32>
        %shift_right_logical3A_92 = arith.shrui %get3A_86, %shift_right_logical3A_91 : vector<16xi32>
        %add3A_93 = arith.constant 0 : i32
        %add3A_94 = vector.broadcast %add3A_93 : i32 to vector<16xi32>
        %add3A_95 = arith.addi %and3A_89, %add3A_94 : vector<16xi32>
        %gather3A_96 = tpu.vector_load_idx %arg5[%add3A_95] : memref<40960xf32, #tpu.memory_space<vmem>>[vector<16xi32>], vector<16xf32>,
        %add3A_97 = arith.constant 0 : i32
        %add3A_98 = vector.broadcast %add3A_97 : i32 to vector<16xi32>
        %add3A_99 = arith.addi %shift_right_logical3A_92, %add3A_98 : vector<16xi32>
        tpu.vector_store_idx %arg6[%add3A_99], %gather3A_96 {add = true} : memref<40960xf32, #tpu.memory_space<vmem>>[vector<16xi32>], vector<16xf32>,
        %add3A_100 = arith.constant 10240 : i32
        %add3A_101 = vector.broadcast %add3A_100 : i32 to vector<16xi32>
        %add3A_102 = arith.addi %and3A_89, %add3A_101 : vector<16xi32>
        %gather3A_103 = tpu.vector_load_idx %arg5[%add3A_102] : memref<40960xf32, #tpu.memory_space<vmem>>[vector<16xi32>], vector<16xf32>,
        %add3A_104 = arith.constant 10240 : i32
        %add3A_105 = vector.broadcast %add3A_104 : i32 to vector<16xi32>
        %add3A_106 = arith.addi %shift_right_logical3A_92, %add3A_105 : vector<16xi32>
        tpu.vector_store_idx %arg6[%add3A_106], %gather3A_103 {add = true} : memref<40960xf32, #tpu.memory_space<vmem>>[vector<16xi32>], vector<16xf32>,
        %add3A_107 = arith.constant 20480 : i32
        %add3A_108 = vector.broadcast %add3A_107 : i32 to vector<16xi32>
        %add3A_109 = arith.addi %and3A_89, %add3A_108 : vector<16xi32>
        %gather3A_110 = tpu.vector_load_idx %arg5[%add3A_109] : memref<40960xf32, #tpu.memory_space<vmem>>[vector<16xi32>], vector<16xf32>,
        %add3A_111 = arith.constant 20480 : i32
        %add3A_112 = vector.broadcast %add3A_111 : i32 to vector<16xi32>
        %add3A_113 = arith.addi %shift_right_logical3A_92, %add3A_112 : vector<16xi32>
        tpu.vector_store_idx %arg6[%add3A_113], %gather3A_110 {add = true} : memref<40960xf32, #tpu.memory_space<vmem>>[vector<16xi32>], vector<16xf32>,
        %add3A_114 = arith.constant 30720 : i32
        %add3A_115 = vector.broadcast %add3A_114 : i32 to vector<16xi32>
        %add3A_116 = arith.addi %and3A_89, %add3A_115 : vector<16xi32>
        %gather3A_117 = tpu.vector_load_idx %arg5[%add3A_116] : memref<40960xf32, #tpu.memory_space<vmem>>[vector<16xi32>], vector<16xf32>,
        %add3A_118 = arith.constant 30720 : i32
        %add3A_119 = vector.broadcast %add3A_118 : i32 to vector<16xi32>
        %add3A_120 = arith.addi %shift_right_logical3A_92, %add3A_119 : vector<16xi32>
        tpu.vector_store_idx %arg6[%add3A_120], %gather3A_117 {add = true} : memref<40960xf32, #tpu.memory_space<vmem>>[vector<16xi32>], vector<16xf32>,
        %mul3A_121 = arith.constant 64 : i32
        %mul3A_122 = arith.muli %scan3A_44, %mul3A_121 : i32
        %add3A_123 = arith.constant 32 : i32
        %add3A_124 = arith.addi %mul3A_122, %add3A_123 : i32
        %get3A_125 = arith.index_cast %add3A_124 : i32 to index
        %get3A_126 = tpu.vector_load %arg8[%get3A_125] {strides = array<i32>} : memref<2048xi32, #tpu.memory_space<vmem>>, vector<16xi32>,
        %and3A_127 = arith.constant 16383 : i32
        %and3A_128 = vector.broadcast %and3A_127 : i32 to vector<16xi32>
        %and3A_129 = arith.andi %get3A_126, %and3A_128 : vector<16xi32>
        %shift_right_logical3A_130 = arith.constant 14 : i32
        %shift_right_logical3A_131 = vector.broadcast %shift_right_logical3A_130 : i32 to vector<16xi32>
        %shift_right_logical3A_132 = arith.shrui %get3A_126, %shift_right_logical3A_131 : vector<16xi32>
        %add3A_133 = arith.constant 0 : i32
        %add3A_134 = vector.broadcast %add3A_133 : i32 to vector<16xi32>
        %add3A_135 = arith.addi %and3A_129, %add3A_134 : vector<16xi32>
        %gather3A_136 = tpu.vector_load_idx %arg5[%add3A_135] : memref<40960xf32, #tpu.memory_space<vmem>>[vector<16xi32>], vector<16xf32>,
        %add3A_137 = arith.constant 0 : i32
        %add3A_138 = vector.broadcast %add3A_137 : i32 to vector<16xi32>
        %add3A_139 = arith.addi %shift_right_logical3A_132, %add3A_138 : vector<16xi32>
        tpu.vector_store_idx %arg6[%add3A_139], %gather3A_136 {add = true} : memref<40960xf32, #tpu.memory_space<vmem>>[vector<16xi32>], vector<16xf32>,
        %add3A_140 = arith.constant 10240 : i32
        %add3A_141 = vector.broadcast %add3A_140 : i32 to vector<16xi32>
        %add3A_142 = arith.addi %and3A_129, %add3A_141 : vector<16xi32>
        %gather3A_143 = tpu.vector_load_idx %arg5[%add3A_142] : memref<40960xf32, #tpu.memory_space<vmem>>[vector<16xi32>], vector<16xf32>,
        %add3A_144 = arith.constant 10240 : i32
        %add3A_145 = vector.broadcast %add3A_144 : i32 to vector<16xi32>
        %add3A_146 = arith.addi %shift_right_logical3A_132, %add3A_145 : vector<16xi32>
        tpu.vector_store_idx %arg6[%add3A_146], %gather3A_143 {add = true} : memref<40960xf32, #tpu.memory_space<vmem>>[vector<16xi32>], vector<16xf32>,
        %add3A_147 = arith.constant 20480 : i32
        %add3A_148 = vector.broadcast %add3A_147 : i32 to vector<16xi32>
        %add3A_149 = arith.addi %and3A_129, %add3A_148 : vector<16xi32>
        %gather3A_150 = tpu.vector_load_idx %arg5[%add3A_149] : memref<40960xf32, #tpu.memory_space<vmem>>[vector<16xi32>], vector<16xf32>,
        %add3A_151 = arith.constant 20480 : i32
        %add3A_152 = vector.broadcast %add3A_151 : i32 to vector<16xi32>
        %add3A_153 = arith.addi %shift_right_logical3A_132, %add3A_152 : vector<16xi32>
        tpu.vector_store_idx %arg6[%add3A_153], %gather3A_150 {add = true} : memref<40960xf32, #tpu.memory_space<vmem>>[vector<16xi32>], vector<16xf32>,
        %add3A_154 = arith.constant 30720 : i32
        %add3A_155 = vector.broadcast %add3A_154 : i32 to vector<16xi32>
        %add3A_156 = arith.addi %and3A_129, %add3A_155 : vector<16xi32>
        %gather3A_157 = tpu.vector_load_idx %arg5[%add3A_156] : memref<40960xf32, #tpu.memory_space<vmem>>[vector<16xi32>], vector<16xf32>,
        %add3A_158 = arith.constant 30720 : i32
        %add3A_159 = vector.broadcast %add3A_158 : i32 to vector<16xi32>
        %add3A_160 = arith.addi %shift_right_logical3A_132, %add3A_159 : vector<16xi32>
        tpu.vector_store_idx %arg6[%add3A_160], %gather3A_157 {add = true} : memref<40960xf32, #tpu.memory_space<vmem>>[vector<16xi32>], vector<16xf32>,
        %mul3A_161 = arith.constant 64 : i32
        %mul3A_162 = arith.muli %scan3A_44, %mul3A_161 : i32
        %add3A_163 = arith.constant 48 : i32
        %add3A_164 = arith.addi %mul3A_162, %add3A_163 : i32
        %get3A_165 = arith.index_cast %add3A_164 : i32 to index
        %get3A_166 = tpu.vector_load %arg8[%get3A_165] {strides = array<i32>} : memref<2048xi32, #tpu.memory_space<vmem>>, vector<16xi32>,
        %and3A_167 = arith.constant 16383 : i32
        %and3A_168 = vector.broadcast %and3A_167 : i32 to vector<16xi32>
        %and3A_169 = arith.andi %get3A_166, %and3A_168 : vector<16xi32>
        %shift_right_logical3A_170 = arith.constant 14 : i32
        %shift_right_logical3A_171 = vector.broadcast %shift_right_logical3A_170 : i32 to vector<16xi32>
        %shift_right_logical3A_172 = arith.shrui %get3A_166, %shift_right_logical3A_171 : vector<16xi32>
        %add3A_173 = arith.constant 0 : i32
        %add3A_174 = vector.broadcast %add3A_173 : i32 to vector<16xi32>
        %add3A_175 = arith.addi %and3A_169, %add3A_174 : vector<16xi32>
        %gather3A_176 = tpu.vector_load_idx %arg5[%add3A_175] : memref<40960xf32, #tpu.memory_space<vmem>>[vector<16xi32>], vector<16xf32>,
        %add3A_177 = arith.constant 0 : i32
        %add3A_178 = vector.broadcast %add3A_177 : i32 to vector<16xi32>
        %add3A_179 = arith.addi %shift_right_logical3A_172, %add3A_178 : vector<16xi32>
        tpu.vector_store_idx %arg6[%add3A_179], %gather3A_176 {add = true} : memref<40960xf32, #tpu.memory_space<vmem>>[vector<16xi32>], vector<16xf32>,
        %add3A_180 = arith.constant 10240 : i32
        %add3A_181 = vector.broadcast %add3A_180 : i32 to vector<16xi32>
        %add3A_182 = arith.addi %and3A_169, %add3A_181 : vector<16xi32>
        %gather3A_183 = tpu.vector_load_idx %arg5[%add3A_182] : memref<40960xf32, #tpu.memory_space<vmem>>[vector<16xi32>], vector<16xf32>,
        %add3A_184 = arith.constant 10240 : i32
        %add3A_185 = vector.broadcast %add3A_184 : i32 to vector<16xi32>
        %add3A_186 = arith.addi %shift_right_logical3A_172, %add3A_185 : vector<16xi32>
        tpu.vector_store_idx %arg6[%add3A_186], %gather3A_183 {add = true} : memref<40960xf32, #tpu.memory_space<vmem>>[vector<16xi32>], vector<16xf32>,
        %add3A_187 = arith.constant 20480 : i32
        %add3A_188 = vector.broadcast %add3A_187 : i32 to vector<16xi32>
        %add3A_189 = arith.addi %and3A_169, %add3A_188 : vector<16xi32>
        %gather3A_190 = tpu.vector_load_idx %arg5[%add3A_189] : memref<40960xf32, #tpu.memory_space<vmem>>[vector<16xi32>], vector<16xf32>,
        %add3A_191 = arith.constant 20480 : i32
        %add3A_192 = vector.broadcast %add3A_191 : i32 to vector<16xi32>
        %add3A_193 = arith.addi %shift_right_logical3A_172, %add3A_192 : vector<16xi32>
        tpu.vector_store_idx %arg6[%add3A_193], %gather3A_190 {add = true} : memref<40960xf32, #tpu.memory_space<vmem>>[vector<16xi32>], vector<16xf32>,
        %add3A_194 = arith.constant 30720 : i32
        %add3A_195 = vector.broadcast %add3A_194 : i32 to vector<16xi32>
        %add3A_196 = arith.addi %and3A_169, %add3A_195 : vector<16xi32>
        %gather3A_197 = tpu.vector_load_idx %arg5[%add3A_196] : memref<40960xf32, #tpu.memory_space<vmem>>[vector<16xi32>], vector<16xf32>,
        %add3A_198 = arith.constant 30720 : i32
        %add3A_199 = vector.broadcast %add3A_198 : i32 to vector<16xi32>
        %add3A_200 = arith.addi %shift_right_logical3A_172, %add3A_199 : vector<16xi32>
        tpu.vector_store_idx %arg6[%add3A_200], %gather3A_197 {add = true} : memref<40960xf32, #tpu.memory_space<vmem>>[vector<16xi32>], vector<16xf32>,
      }
      %scan3A_38 = arith.constant 32 : i32
      %lt3A_39 = arith.constant 79 : i32
      %lt3A_40 = arith.cmpi slt, %scan3A_15, %lt3A_39 : i32
      %convert_element_type3A_41 = arith.extui %lt3A_40 : i1 to i32
      %cond3A_42 = arith.constant 0 : i32
      %cond3A_43 = arith.cmpi ne, %convert_element_type3A_41, %cond3A_42 : i32
      scf.if %cond3A_43 {
        %add3A_44 = arith.constant 3 : i32
        %add3A_45 = arith.addi %mul3A_17, %add3A_44 : i32
        %mul3A_46 = arith.constant 2048 : i32
        %mul3A_47 = arith.muli %add3A_45, %mul3A_46 : i32
        %dma_start3A_48 = tpu.memref_slice %arg3[%mul3A_47] : memref<327680xi32, #tpu.memory_space<hbm>> -> memref<2048xi32, #tpu.memory_space<hbm>>
        %dma_start3A_49 = tpu.memref_slice %arg3[%mul3A_47] : memref<327680xi32, #tpu.memory_space<hbm>> -> memref<2048xi32, #tpu.memory_space<hbm>>
        tpu.enqueue_dma source(%dma_start3A_49 : memref<2048xi32, #tpu.memory_space<hbm>>) target(%arg8 : memref<2048xi32, #tpu.memory_space<vmem>>) target_semaphore(%arg10 : memref<!tpu.dma_semaphore, #tpu.memory_space<semaphore_mem>>)
      } else {
      }
    }
    %scan3A_14 = arith.constant 80 : i32
    "tpu.region"() ({
      %run_scoped3A = tpu.sem_alloc : memref<!tpu.dma_semaphore, #tpu.memory_space<semaphore_mem>>
      %dma_start3A_15 = tpu.memref_slice %arg4[%mul3A_2] : memref<1310720xf32, #tpu.memory_space<hbm>> -> memref<40960xf32, #tpu.memory_space<hbm>>
      %dma_start3A_16 = tpu.memref_slice %arg4[%mul3A_2] : memref<1310720xf32, #tpu.memory_space<hbm>> -> memref<40960xf32, #tpu.memory_space<hbm>>
      tpu.enqueue_dma source(%arg6 : memref<40960xf32, #tpu.memory_space<vmem>>) target(%dma_start3A_16 : memref<40960xf32, #tpu.memory_space<hbm>>) target_semaphore(%run_scoped3A : memref<!tpu.dma_semaphore, #tpu.memory_space<semaphore_mem>>)
      %dma_wait3A = tpu.memref_slice %arg4[%mul3A_2] : memref<1310720xf32, #tpu.memory_space<hbm>> -> memref<40960xf32, #tpu.memory_space<hbm>>
      %dma_wait3A_17 = tpu.memref_slice %arg4[%mul3A_2] : memref<1310720xf32, #tpu.memory_space<hbm>> -> memref<40960xf32, #tpu.memory_space<hbm>>
      tpu.wait_dma2 semaphore(%run_scoped3A : memref<!tpu.dma_semaphore, #tpu.memory_space<semaphore_mem>>) src(%arg6 : memref<40960xf32, #tpu.memory_space<vmem>>) dst(%dma_wait3A_17 : memref<40960xf32, #tpu.memory_space<hbm>>)
      tpu.yield
    }) : () -> ()
    return
  }
}

module attributes {stable_mosaic.version = 14 : i64} {
  func.func @_prep1_body(%arg0: i32, %arg1: memref<512x128xf32, #tpu.memory_space<vmem>>, %arg2: memref<128x128xf32, #tpu.memory_space<vmem>>, %arg3: memref<1x512xf32, #tpu.memory_space<vmem>>, %arg4: memref<1x512xf32, #tpu.memory_space<vmem>>, %arg5: memref<128x512xf32, #tpu.memory_space<vmem>>, %arg6: memref<1x512xf32, #tpu.memory_space<vmem>>) attributes {dimension_semantics = [#tpu.dimension_semantics<arbitrary>], iteration_bounds = array<i64: 20>, scalar_prefetch = 0 : i64, scratch_operands = 0 : i64, tpu.core_type = #tpu.core_type<tc>, window_params = [{transform_indices = @transform_0, window_bounds = array<i64: 512, 128>}, {pipeline_mode = #tpu.pipeline_mode<synchronous>, transform_indices = @transform_1, window_bounds = array<i64: 128, 128>}, {transform_indices = @transform_2, window_bounds = array<i64: 1, 512>}, {transform_indices = @transform_3, window_bounds = array<i64: 1, 512>}, {transform_indices = @transform_4, window_bounds = array<i64: 128, 512>}, {transform_indices = @transform_5, window_bounds = array<i64: 1, 512>}]} {
    %get3A = arith.constant 0 : index
    %get3A_0 = arith.constant 0 : index
    %get3A_1 = vector.load %arg3[%get3A, %get3A_0] : memref<1x512xf32, #tpu.memory_space<vmem>>, vector<1x512xf32>
    %get3A_2 = arith.constant 0 : index
    %get3A_3 = arith.constant 0 : index
    %get3A_4 = vector.load %arg4[%get3A_2, %get3A_3] : memref<1x512xf32, #tpu.memory_space<vmem>>, vector<1x512xf32>
    %add3A = arith.addf %get3A_1, %get3A_4 : vector<1x512xf32>
    %add3A_5 = arith.constant 1.000000e+00 : f32
    %add3A_6 = vector.broadcast %add3A_5 : f32 to vector<1x512xf32>
    %add3A_7 = arith.addf %add3A, %add3A_6 : vector<1x512xf32>
    %rsqrt3A = math.rsqrt %add3A_7 : vector<1x512xf32>
    %get3A_8 = arith.constant 0 : index
    %get3A_9 = arith.constant 0 : index
    %get3A_10 = vector.load %arg2[%get3A_8, %get3A_9] : memref<128x128xf32, #tpu.memory_space<vmem>>, vector<128x128xf32>
    %get3A_11 = arith.constant 0 : index
    %get3A_12 = arith.constant 0 : index
    %get3A_13 = vector.load %arg1[%get3A_11, %get3A_12] : memref<512x128xf32, #tpu.memory_space<vmem>>, vector<512x128xf32>
    %dot_general3A = arith.constant dense<0.000000e+00> : vector<128x512xf32>
    %dot_general3A_14 = tpu.matmul %get3A_10, %get3A_13, %dot_general3A {dimension_numbers = #tpu.dot_dimension_numbers<[1], [1], [0], [0], [0, 0, 1, 0], [], []>, transpose_lhs_hint = false} : vector<128x128xf32>, vector<512x128xf32>, vector<128x512xf32> -> vector<128x512xf32>
    %mul3A = vector.broadcast %rsqrt3A : vector<1x512xf32> to vector<128x512xf32>
    %mul3A_15 = arith.mulf %dot_general3A_14, %mul3A : vector<128x512xf32>
    %swap3A = arith.constant 0 : index
    %swap3A_16 = arith.constant 0 : index
    %swap3A_17 = vector.load %arg5[%swap3A, %swap3A_16] : memref<128x512xf32, #tpu.memory_space<vmem>>, vector<128x512xf32>
    tpu.vector_store %arg5[%swap3A, %swap3A_16], %mul3A_15 {strides = array<i32>} : memref<128x512xf32, #tpu.memory_space<vmem>>, vector<128x512xf32>,
    %swap3A_18 = arith.constant 0 : index
    %swap3A_19 = arith.constant 0 : index
    %swap3A_20 = vector.load %arg6[%swap3A_18, %swap3A_19] : memref<1x512xf32, #tpu.memory_space<vmem>>, vector<1x512xf32>
    tpu.vector_store %arg6[%swap3A_18, %swap3A_19], %rsqrt3A {strides = array<i32>} : memref<1x512xf32, #tpu.memory_space<vmem>>, vector<1x512xf32>,
    return
  }
  func.func @transform_0(%arg0: i32) -> (i32, i32) {
    %c0_i32 = arith.constant 0 : i32
    %c0_i32_0 = arith.constant 0 : i32
    return %arg0, %c0_i32 : i32, i32
  }
  func.func @transform_1(%arg0: i32) -> (i32, i32) {
    %c0_i32 = arith.constant 0 : i32
    %c0_i32_0 = arith.constant 0 : i32
    %c0_i32_1 = arith.constant 0 : i32
    return %c0_i32, %c0_i32_0 : i32, i32
  }
  func.func @transform_2(%arg0: i32) -> (i32, i32) {
    %c0_i32 = arith.constant 0 : i32
    %c0_i32_0 = arith.constant 0 : i32
    return %c0_i32, %arg0 : i32, i32
  }
  func.func @transform_3(%arg0: i32) -> (i32, i32) {
    %c0_i32 = arith.constant 0 : i32
    %c0_i32_0 = arith.constant 0 : i32
    return %c0_i32, %arg0 : i32, i32
  }
  func.func @transform_4(%arg0: i32) -> (i32, i32) {
    %c0_i32 = arith.constant 0 : i32
    %c0_i32_0 = arith.constant 0 : i32
    return %c0_i32, %arg0 : i32, i32
  }
  func.func @transform_5(%arg0: i32) -> (i32, i32) {
    %c0_i32 = arith.constant 0 : i32
    %c0_i32_0 = arith.constant 0 : i32
    return %c0_i32, %arg0 : i32, i32
  }
}

module attributes {stable_mosaic.version = 14 : i64} {
  func.func @_mid_body(%arg0: i32, %arg1: memref<128x512xf32, #tpu.memory_space<vmem>>, %arg2: memref<1x512xf32, #tpu.memory_space<vmem>>, %arg3: memref<128x1xf32, #tpu.memory_space<vmem>>, %arg4: memref<128x128xf32, #tpu.memory_space<vmem>>, %arg5: memref<128x512xf32, #tpu.memory_space<vmem>>) attributes {dimension_semantics = [#tpu.dimension_semantics<arbitrary>], iteration_bounds = array<i64: 20>, scalar_prefetch = 0 : i64, scratch_operands = 0 : i64, tpu.core_type = #tpu.core_type<tc>, window_params = [{transform_indices = @transform_0, window_bounds = array<i64: 128, 512>}, {transform_indices = @transform_1, window_bounds = array<i64: 1, 512>}, {pipeline_mode = #tpu.pipeline_mode<synchronous>, transform_indices = @transform_2, window_bounds = array<i64: 128, 1>}, {pipeline_mode = #tpu.pipeline_mode<synchronous>, transform_indices = @transform_3, window_bounds = array<i64: 128, 128>}, {transform_indices = @transform_4, window_bounds = array<i64: 128, 512>}]} {
    %get3A = arith.constant 0 : index
    %get3A_0 = arith.constant 0 : index
    %get3A_1 = vector.load %arg2[%get3A, %get3A_0] : memref<1x512xf32, #tpu.memory_space<vmem>>, vector<1x512xf32>
    %get3A_2 = arith.constant 0 : index
    %get3A_3 = arith.constant 0 : index
    %get3A_4 = vector.load %arg1[%get3A_2, %get3A_3] : memref<128x512xf32, #tpu.memory_space<vmem>>, vector<128x512xf32>
    %mul3A = vector.broadcast %get3A_1 : vector<1x512xf32> to vector<128x512xf32>
    %mul3A_5 = arith.mulf %mul3A, %get3A_4 : vector<128x512xf32>
    %get3A_6 = arith.constant 0 : index
    %get3A_7 = arith.constant 0 : index
    %get3A_8 = vector.load %arg3[%get3A_6, %get3A_7] : memref<128x1xf32, #tpu.memory_space<vmem>>, vector<128x1xf32>
    %add3A = vector.broadcast %get3A_8 : vector<128x1xf32> to vector<128x512xf32>
    %add3A_9 = arith.addf %mul3A_5, %add3A : vector<128x512xf32>
    %ge3A = arith.constant 0.000000e+00 : f32
    %ge3A_10 = vector.broadcast %ge3A : f32 to vector<128x512xf32>
    %ge3A_11 = arith.cmpf oge, %add3A_9, %ge3A_10 : vector<128x512xf32>
    %mul3A_12 = arith.constant 0.00999999977 : f32
    %mul3A_13 = vector.broadcast %mul3A_12 : f32 to vector<128x512xf32>
    %mul3A_14 = arith.mulf %mul3A_13, %add3A_9 : vector<128x512xf32>
    %select_n3A = arith.select %ge3A_11, %add3A_9, %mul3A_14 : vector<128x512xi1>, vector<128x512xf32>
    %get3A_15 = arith.constant 0 : index
    %get3A_16 = arith.constant 0 : index
    %get3A_17 = vector.load %arg4[%get3A_15, %get3A_16] : memref<128x128xf32, #tpu.memory_space<vmem>>, vector<128x128xf32>
    %dot_general3A = arith.constant dense<0.000000e+00> : vector<128x512xf32>
    %dot_general3A_18 = tpu.matmul %get3A_17, %select_n3A, %dot_general3A {dimension_numbers = #tpu.dot_dimension_numbers<[1], [0], [0], [1], [0, 0, 1, 1], [], []>, transpose_lhs_hint = false} : vector<128x128xf32>, vector<128x512xf32>, vector<128x512xf32> -> vector<128x512xf32>
    %mul3A_19 = vector.broadcast %get3A_1 : vector<1x512xf32> to vector<128x512xf32>
    %mul3A_20 = arith.mulf %dot_general3A_18, %mul3A_19 : vector<128x512xf32>
    %swap3A = arith.constant 0 : index
    %swap3A_21 = arith.constant 0 : index
    %swap3A_22 = vector.load %arg5[%swap3A, %swap3A_21] : memref<128x512xf32, #tpu.memory_space<vmem>>, vector<128x512xf32>
    tpu.vector_store %arg5[%swap3A, %swap3A_21], %mul3A_20 {strides = array<i32>} : memref<128x512xf32, #tpu.memory_space<vmem>>, vector<128x512xf32>,
    return
  }
  func.func @transform_0(%arg0: i32) -> (i32, i32) {
    %c0_i32 = arith.constant 0 : i32
    %c0_i32_0 = arith.constant 0 : i32
    return %c0_i32, %arg0 : i32, i32
  }
  func.func @transform_1(%arg0: i32) -> (i32, i32) {
    %c0_i32 = arith.constant 0 : i32
    %c0_i32_0 = arith.constant 0 : i32
    return %c0_i32, %arg0 : i32, i32
  }
  func.func @transform_2(%arg0: i32) -> (i32, i32) {
    %c0_i32 = arith.constant 0 : i32
    %c0_i32_0 = arith.constant 0 : i32
    %c0_i32_1 = arith.constant 0 : i32
    return %c0_i32, %c0_i32_0 : i32, i32
  }
  func.func @transform_3(%arg0: i32) -> (i32, i32) {
    %c0_i32 = arith.constant 0 : i32
    %c0_i32_0 = arith.constant 0 : i32
    %c0_i32_1 = arith.constant 0 : i32
    return %c0_i32, %c0_i32_0 : i32, i32
  }
  func.func @transform_4(%arg0: i32) -> (i32, i32) {
    %c0_i32 = arith.constant 0 : i32
    %c0_i32_0 = arith.constant 0 : i32
    return %c0_i32, %arg0 : i32, i32
  }
}

module attributes {stable_mosaic.version = 14 : i64} {
  func.func @_final_body(%arg0: i32, %arg1: memref<128x512xf32, #tpu.memory_space<vmem>>, %arg2: memref<1x512xf32, #tpu.memory_space<vmem>>, %arg3: memref<128x1xf32, #tpu.memory_space<vmem>>, %arg4: memref<1x512xi32, #tpu.memory_space<vmem>>, %arg5: memref<2x128xf32, #tpu.memory_space<vmem>>, %arg6: memref<1x2xf32, #tpu.memory_space<vmem>>, %arg7: memref<64x2xf32, #tpu.memory_space<vmem>>, %arg8: memref<128x64xf32, #tpu.memory_space<vmem>>, %arg9: memref<1x64xf32, #tpu.memory_space<vmem>>) attributes {dimension_semantics = [#tpu.dimension_semantics<arbitrary>], iteration_bounds = array<i64: 20>, scalar_prefetch = 0 : i64, scratch_operands = 2 : i64, tpu.core_type = #tpu.core_type<tc>, window_params = [{transform_indices = @transform_0, window_bounds = array<i64: 128, 512>}, {transform_indices = @transform_1, window_bounds = array<i64: 1, 512>}, {pipeline_mode = #tpu.pipeline_mode<synchronous>, transform_indices = @transform_2, window_bounds = array<i64: 128, 1>}, {transform_indices = @transform_3, window_bounds = array<i64: 1, 512>}, {pipeline_mode = #tpu.pipeline_mode<synchronous>, transform_indices = @transform_4, window_bounds = array<i64: 2, 128>}, {pipeline_mode = #tpu.pipeline_mode<synchronous>, transform_indices = @transform_5, window_bounds = array<i64: 1, 2>}, {pipeline_mode = #tpu.pipeline_mode<synchronous>, transform_indices = @transform_6, window_bounds = array<i64: 64, 2>}]} {
    %get3A = arith.constant 0 : index
    %get3A_0 = arith.constant 0 : index
    %get3A_1 = vector.load %arg2[%get3A, %get3A_0] : memref<1x512xf32, #tpu.memory_space<vmem>>, vector<1x512xf32>
    %get3A_2 = arith.constant 0 : index
    %get3A_3 = arith.constant 0 : index
    %get3A_4 = vector.load %arg1[%get3A_2, %get3A_3] : memref<128x512xf32, #tpu.memory_space<vmem>>, vector<128x512xf32>
    %mul3A = vector.broadcast %get3A_1 : vector<1x512xf32> to vector<128x512xf32>
    %mul3A_5 = arith.mulf %mul3A, %get3A_4 : vector<128x512xf32>
    %get3A_6 = arith.constant 0 : index
    %get3A_7 = arith.constant 0 : index
    %get3A_8 = vector.load %arg3[%get3A_6, %get3A_7] : memref<128x1xf32, #tpu.memory_space<vmem>>, vector<128x1xf32>
    %add3A = vector.broadcast %get3A_8 : vector<128x1xf32> to vector<128x512xf32>
    %add3A_9 = arith.addf %mul3A_5, %add3A : vector<128x512xf32>
    %ge3A = arith.constant 0.000000e+00 : f32
    %ge3A_10 = vector.broadcast %ge3A : f32 to vector<128x512xf32>
    %ge3A_11 = arith.cmpf oge, %add3A_9, %ge3A_10 : vector<128x512xf32>
    %mul3A_12 = arith.constant 0.00999999977 : f32
    %mul3A_13 = vector.broadcast %mul3A_12 : f32 to vector<128x512xf32>
    %mul3A_14 = arith.mulf %mul3A_13, %add3A_9 : vector<128x512xf32>
    %select_n3A = arith.select %ge3A_11, %add3A_9, %mul3A_14 : vector<128x512xi1>, vector<128x512xf32>
    %get3A_15 = arith.constant 0 : index
    %get3A_16 = arith.constant 0 : index
    %get3A_17 = vector.load %arg4[%get3A_15, %get3A_16] : memref<1x512xi32, #tpu.memory_space<vmem>>, vector<1x512xi32>
    %iota3A = tpu.iota {dimensions = array<i32: 0>} : vector<64x512xi32>
    %eq3A = vector.broadcast %get3A_17 : vector<1x512xi32> to vector<64x512xi32>
    %eq3A_18 = arith.cmpi eq, %eq3A, %iota3A : vector<64x512xi32>
    %convert_element_type3A = arith.extui %eq3A_18 : vector<64x512xi1> to vector<64x512xi32>
    %convert_element_type3A_19 = arith.sitofp %convert_element_type3A : vector<64x512xi32> to vector<64x512xf32>
    %dot_general3A = arith.constant dense<0.000000e+00> : vector<128x64xf32>
    %dot_general3A_20 = tpu.matmul %select_n3A, %convert_element_type3A_19, %dot_general3A {dimension_numbers = #tpu.dot_dimension_numbers<[1], [1], [0], [0], [0, 0, 1, 0], [], []>, transpose_lhs_hint = false} : vector<128x512xf32>, vector<64x512xf32>, vector<128x64xf32> -> vector<128x64xf32>
    %broadcast_in_dim3A = arith.constant 1.000000e+00 : f32
    %broadcast_in_dim3A_21 = vector.broadcast %broadcast_in_dim3A : f32 to vector<1x512xf32>
    %dot_general3A_22 = arith.constant dense<0.000000e+00> : vector<1x64xf32>
    %dot_general3A_23 = tpu.matmul %broadcast_in_dim3A_21, %convert_element_type3A_19, %dot_general3A_22 {dimension_numbers = #tpu.dot_dimension_numbers<[1], [1], [0], [0], [0, 0, 1, 0], [], []>, transpose_lhs_hint = false} : vector<1x512xf32>, vector<64x512xf32>, vector<1x64xf32> -> vector<1x64xf32>
    %eq3A_24 = arith.constant 0 : i32
    %eq3A_25 = arith.cmpi eq, %arg0, %eq3A_24 : i32
    %convert_element_type3A_26 = arith.extui %eq3A_25 : i1 to i32
    %cond3A = arith.constant 0 : i32
    %cond3A_27 = arith.cmpi ne, %convert_element_type3A_26, %cond3A : i32
    scf.if %cond3A_27 {
      %swap3A = arith.constant 0 : index
      %swap3A_37 = arith.constant 0 : index
      %swap3A_38 = vector.load %arg8[%swap3A, %swap3A_37] : memref<128x64xf32, #tpu.memory_space<vmem>>, vector<128x64xf32>
      tpu.vector_store %arg8[%swap3A, %swap3A_37], %dot_general3A_20 {strides = array<i32>} : memref<128x64xf32, #tpu.memory_space<vmem>>, vector<128x64xf32>,
      %swap3A_39 = arith.constant 0 : index
      %swap3A_40 = arith.constant 0 : index
      %swap3A_41 = vector.load %arg9[%swap3A_39, %swap3A_40] : memref<1x64xf32, #tpu.memory_space<vmem>>, vector<1x64xf32>
      tpu.vector_store %arg9[%swap3A_39, %swap3A_40], %dot_general3A_23 {strides = array<i32>} : memref<1x64xf32, #tpu.memory_space<vmem>>, vector<1x64xf32>,
    } else {
    }
    %gt3A = arith.constant 0 : i32
    %gt3A_28 = arith.cmpi sgt, %arg0, %gt3A : i32
    %convert_element_type3A_29 = arith.extui %gt3A_28 : i1 to i32
    %cond3A_30 = arith.constant 0 : i32
    %cond3A_31 = arith.cmpi ne, %convert_element_type3A_29, %cond3A_30 : i32
    scf.if %cond3A_31 {
      %get3A_37 = arith.constant 0 : index
      %get3A_38 = arith.constant 0 : index
      %get3A_39 = vector.load %arg8[%get3A_37, %get3A_38] : memref<128x64xf32, #tpu.memory_space<vmem>>, vector<128x64xf32>
      %add3A_40 = arith.addf %get3A_39, %dot_general3A_20 : vector<128x64xf32>
      %swap3A = arith.constant 0 : index
      %swap3A_41 = arith.constant 0 : index
      %swap3A_42 = vector.load %arg8[%swap3A, %swap3A_41] : memref<128x64xf32, #tpu.memory_space<vmem>>, vector<128x64xf32>
      tpu.vector_store %arg8[%swap3A, %swap3A_41], %add3A_40 {strides = array<i32>} : memref<128x64xf32, #tpu.memory_space<vmem>>, vector<128x64xf32>,
      %get3A_43 = arith.constant 0 : index
      %get3A_44 = arith.constant 0 : index
      %get3A_45 = vector.load %arg9[%get3A_43, %get3A_44] : memref<1x64xf32, #tpu.memory_space<vmem>>, vector<1x64xf32>
      %add3A_46 = arith.addf %get3A_45, %dot_general3A_23 : vector<1x64xf32>
      %swap3A_47 = arith.constant 0 : index
      %swap3A_48 = arith.constant 0 : index
      %swap3A_49 = vector.load %arg9[%swap3A_47, %swap3A_48] : memref<1x64xf32, #tpu.memory_space<vmem>>, vector<1x64xf32>
      tpu.vector_store %arg9[%swap3A_47, %swap3A_48], %add3A_46 {strides = array<i32>} : memref<1x64xf32, #tpu.memory_space<vmem>>, vector<1x64xf32>,
    } else {
    }
    %eq3A_32 = arith.constant 19 : i32
    %eq3A_33 = arith.cmpi eq, %arg0, %eq3A_32 : i32
    %convert_element_type3A_34 = arith.extui %eq3A_33 : i1 to i32
    %cond3A_35 = arith.constant 0 : i32
    %cond3A_36 = arith.cmpi ne, %convert_element_type3A_34, %cond3A_35 : i32
    scf.if %cond3A_36 {
      %get3A_37 = arith.constant 0 : index
      %get3A_38 = arith.constant 0 : index
      %get3A_39 = vector.load %arg8[%get3A_37, %get3A_38] : memref<128x64xf32, #tpu.memory_space<vmem>>, vector<128x64xf32>
      %get3A_40 = arith.constant 0 : index
      %get3A_41 = arith.constant 0 : index
      %get3A_42 = vector.load %arg9[%get3A_40, %get3A_41] : memref<1x64xf32, #tpu.memory_space<vmem>>, vector<1x64xf32>
      %max3A = arith.constant 1.000000e+00 : f32
      %max3A_43 = vector.broadcast %max3A : f32 to vector<1x64xf32>
      %max3A_44 = arith.maximumf %get3A_42, %max3A_43 : vector<1x64xf32>
      %div3A = vector.broadcast %max3A_44 : vector<1x64xf32> to vector<128x64xf32>
      %div3A_45 = arith.divf %get3A_39, %div3A : vector<128x64xf32>
      %get3A_46 = arith.constant 0 : index
      %get3A_47 = arith.constant 0 : index
      %get3A_48 = vector.load %arg5[%get3A_46, %get3A_47] : memref<2x128xf32, #tpu.memory_space<vmem>>, vector<2x128xf32>
      %dot_general3A_49 = arith.constant dense<0.000000e+00> : vector<64x2xf32>
      %dot_general3A_50 = tpu.matmul %div3A_45, %get3A_48, %dot_general3A_49 {dimension_numbers = #tpu.dot_dimension_numbers<[0], [1], [1], [0], [0, 1, 1, 0], [], []>, transpose_lhs_hint = false} : vector<128x64xf32>, vector<2x128xf32>, vector<64x2xf32> -> vector<64x2xf32>
      %get3A_51 = arith.constant 0 : index
      %get3A_52 = arith.constant 0 : index
      %get3A_53 = vector.load %arg6[%get3A_51, %get3A_52] : memref<1x2xf32, #tpu.memory_space<vmem>>, vector<1x2xf32>
      %add3A_54 = vector.broadcast %get3A_53 : vector<1x2xf32> to vector<64x2xf32>
      %add3A_55 = arith.addf %dot_general3A_50, %add3A_54 : vector<64x2xf32>
      %swap3A = arith.constant 0 : index
      %swap3A_56 = arith.constant 0 : index
      %swap3A_57 = vector.load %arg7[%swap3A, %swap3A_56] : memref<64x2xf32, #tpu.memory_space<vmem>>, vector<64x2xf32>
      tpu.vector_store %arg7[%swap3A, %swap3A_56], %add3A_55 {strides = array<i32>} : memref<64x2xf32, #tpu.memory_space<vmem>>, vector<64x2xf32>,
    } else {
    }
    return
  }
  func.func @transform_0(%arg0: i32) -> (i32, i32) {
    %c0_i32 = arith.constant 0 : i32
    %c0_i32_0 = arith.constant 0 : i32
    return %c0_i32, %arg0 : i32, i32
  }
  func.func @transform_1(%arg0: i32) -> (i32, i32) {
    %c0_i32 = arith.constant 0 : i32
    %c0_i32_0 = arith.constant 0 : i32
    return %c0_i32, %arg0 : i32, i32
  }
  func.func @transform_2(%arg0: i32) -> (i32, i32) {
    %c0_i32 = arith.constant 0 : i32
    %c0_i32_0 = arith.constant 0 : i32
    %c0_i32_1 = arith.constant 0 : i32
    return %c0_i32, %c0_i32_0 : i32, i32
  }
  func.func @transform_3(%arg0: i32) -> (i32, i32) {
    %c0_i32 = arith.constant 0 : i32
    %c0_i32_0 = arith.constant 0 : i32
    return %c0_i32, %arg0 : i32, i32
  }
  func.func @transform_4(%arg0: i32) -> (i32, i32) {
    %c0_i32 = arith.constant 0 : i32
    %c0_i32_0 = arith.constant 0 : i32
    %c0_i32_1 = arith.constant 0 : i32
    return %c0_i32, %c0_i32_0 : i32, i32
  }
  func.func @transform_5(%arg0: i32) -> (i32, i32) {
    %c0_i32 = arith.constant 0 : i32
    %c0_i32_0 = arith.constant 0 : i32
    %c0_i32_1 = arith.constant 0 : i32
    return %c0_i32, %c0_i32_0 : i32, i32
  }
  func.func @transform_6(%arg0: i32) -> (i32, i32) {
    %c0_i32 = arith.constant 0 : i32
    %c0_i32_0 = arith.constant 0 : i32
    %c0_i32_1 = arith.constant 0 : i32
    return %c0_i32, %c0_i32_0 : i32, i32
  }
}

</mosaic_0001>

<sc_bundles>
// kernel: kernel.11.cloned.1.call-start
scs
__scs_entry_jumppad:
0x0: {  	(pc) =	sbr.rel $0x88, $3  }
0x1: {  	(tag) =	ssettag $0x0;
	lr =	simm.s32 $0x1  }
0x2: {  	[smem:$0x3F98] =	sst lr;
	_ =	strace $0xD0000000  }
0x3: {  	_ = 	snop  }
0x4: {  	_ = 	snop  }
0x5: {  	_ = 	snop  }
0x6: {  	_ = 	snop  }
0x7: {  	_ = 	snop  }
__scs_overlays_trampoline_lowered:
0x8: {  	[smem:$0x3FA7] =	sst s0  }
0x9: {  	[smem:$0x3FA8] =	sst s1  }
0xa: {  	[smem:$0x3FA9] =	sst s2  }
0xb: {  	[smem:$0x3FAA] =	sst s3  }
0xc: {  	[smem:$0x3FAB] =	sst s4  }
0xd: {  	[smem:$0x3FAC] =	sst s5  }
0xe: {  	[smem:$0x3FAD] =	sst s6  }
0xf: {  	[smem:$0x3FAE] =	sst s7  }
0x10: {  	[smem:$0x3FAF] =	sst s8  }
0x11: {  	[smem:$0x3FB0] =	sst s9;
	s0 =	simm.s32 @!p0 $0x0  }
0x12: {  	s1 =	sld [smem:$0x3F96];
	s0 =	simm.s32 @p0 $0x1  }
0x13: {  	[smem:$0x3FB1] =	sst s0;
	s0 =	simm.s32 @!p1 $0x0  }
0x14: {  	s2 =	sld [smem:$0x3F95];
	s0 =	simm.s32 @p1 $0x1  }
0x15: {  	[smem:$0x3FB2] =	sst s0;
	s0 =	simm.s32 @!p2 $0x0  }
0x16: {  	s3 =	sld [smem:$0x3FDB];
	s0 =	simm.s32 @p2 $0x1  }
0x17: {  	s4 =	simm.s32 $0x1BF5;
	[smem:$0x3FB4] =	sst s0  }
0x18: {  	s0 =	sld [smem:$0x3F97];
	_ =	swait.ge [sflag:s4], $0x0  }
0x19: {  	s7 =	sld [smem:$0x3F98]  }
0x1a: {  	s8 =	sadd.s32 $0xFFFFE003, lr  }
0x1b: {  	s9 =	sadd.s32 $0xFFFFFEF7, lr;
	s5 =	simm.s32 $0xFFFFFFFF;
	p2 =	slt.u32 s8, $0xFFFFF086  }
0x1c: {  	p1 =	slt.u32 s9, $0xF7A;
	s5 =	simm.s32 @!p2 $0x0  }
0x1d: {  	s5 =	simm.s32 @p1 $0x1;
	p0 =	seq.s32 s7, s2  }
0x1e: {  	s7 =	smul.u32 @!p0 $0xF7A, s2;
	p2 =	seq.s32 @!p0 s5, $0x0  }
0x1f: {  	s9 =	smul.u32 $0xF7A, s1;
	s8 =	simm.s32 @!p0 $0x1BF5;
	p2 =	por !p2, p0  }
0x20: {  	[sflag:s8] =	ssyncset.s32 @!p0 $0xFFFFF086;
	s6 =	sadd.s32 @!p0 s3, s7;
	s7 =	simm.s32 @!p0 $0x108  }
0x21: {  	s3 =	sadd.s32 s3, s9;
	s6 =	sadd.s32 @!p0 $0x88, s6;
	s7 =	simm.s32 @p2 $0x1082  }
0x22: {  	[simem:s7], [sflag:s8] =	dma.local @!p0 [hbm:s6], $0xF7A  }
0x23: {  	s9 =	sor.u32 $0xD0000000, s2;
	s6 =	simm.s32 $0x108;
	_ =	swait.ge @!p0 [sflag:s8], $0x0  }
0x24: {  	s3 =	sadd.s32 $0x88, s3;
	s6 =	simm.s32 @!p1 $0x1082;
	[sflag:s4] =	ssyncset.s32 $0xFFFFF086  }
0x25: {  	[simem:s6], [sflag:s4] =	dma.local [hbm:s3], $0xF7A  }
0x26: {  	[smem:$0x3F98] =	sst s1;
	(tag) =	ssettag s2;
	_ =	strace s9  }
0x27: {  	s1 =	sld [smem:$0x3FA8]  }
0x28: {  	s2 =	sld [smem:$0x3FA9]  }
0x29: {  	s4 =	sld [smem:$0x3FAB]  }
0x2a: {  	p0 =	seq.s32 s5, $0x0;
	s5 =	sld [smem:$0x3FAC]  }
0x2b: {  	s6 =	sld [smem:$0x3FAD]  }
0x2c: {  	s7 =	sld [smem:$0x3FAE]  }
0x2d: {  	s3 =	simm.s32 $0x108;
	s8 =	sld [smem:$0x3FAF]  }
0x2e: {  	s3 =	simm.s32 @!p0 $0x1082;
	s9 =	sld [smem:$0x3FB0]  }
0x2f: {  	lr =	sadd.s32 s0, s3;
	s0 =	sld [smem:$0x3FA7]  }
0x30: {  	s3 =	sld [smem:$0x3FAA]  }
0x31: {  	[smem:$0x3FB3] =	sst s10  }
0x32: {  	s10 =	sld [smem:$0x3FB1];
	_ =	sdelay $0x3  }
0x33: {  	p0 =	seq.s32 s10, $0x1;
	s10 =	sld [smem:$0x3FB3];
	_ =	sdelay $0x3  }
0x34: {  	[smem:$0x3FB3] =	sst s10  }
0x35: {  	s10 =	sld [smem:$0x3FB2];
	_ =	sdelay $0x3  }
0x36: {  	p1 =	seq.s32 s10, $0x1;
	s10 =	sld [smem:$0x3FB3];
	_ =	sdelay $0x3  }
0x37: {  	[smem:$0x3FB3] =	sst s10  }
0x38: {  	s10 =	sld [smem:$0x3FB4]  }
0x39: {  	_ = 	snop;
	(pc) =	sbr.ind lr, $3  }
0x3a: {  	_ = 	snop  }
0x3b: {  	_ = 	snop  }
0x3c: {  	p2 =	seq.s32 s10, $0x1;
	s10 =	sld [smem:$0x3FB3]  }
0x3d: {  	_ =	shalt  }
0x3e: {  	_ =	shalt  }
0x3f: {  	_ =	shalt  }
0x40: {  	_ =	shalt  }
0x41: {  	_ =	shalt  }
0x42: {  	_ =	shalt  }
0x43: {  	_ =	shalt  }
0x44: {  	_ =	shalt  }
0x45: {  	_ =	shalt  }
0x46: {  	_ =	shalt  }
0x47: {  	_ =	shalt  }
0x48: {  	_ =	shalt  }
0x49: {  	_ =	shalt  }
0x4a: {  	_ =	shalt  }
0x4b: {  	_ =	shalt  }
0x4c: {  	_ =	shalt  }
0x4d: {  	_ =	shalt  }
0x4e: {  	_ =	shalt  }
0x4f: {  	_ =	shalt  }
0x50: {  	_ =	shalt  }
0x51: {  	_ =	shalt  }
0x52: {  	_ =	shalt  }
0x53: {  	_ =	shalt  }
0x54: {  	_ =	shalt  }
0x55: {  	_ =	shalt  }
0x56: {  	_ =	shalt  }
0x57: {  	_ =	shalt  }
0x58: {  	_ =	shalt  }
0x59: {  	_ =	shalt  }
0x5a: {  	_ =	shalt  }
0x5b: {  	_ =	shalt  }
0x5c: {  	_ =	shalt  }
0x5d: {  	_ =	shalt  }
0x5e: {  	_ =	shalt  }
0x5f: {  	_ =	shalt  }
0x60: {  	_ =	shalt  }
0x61: {  	_ =	shalt  }
0x62: {  	_ =	shalt  }
0x63: {  	_ =	shalt  }
0x64: {  	_ =	shalt  }
0x65: {  	_ =	shalt  }
0x66: {  	_ =	shalt  }
0x67: {  	_ =	shalt  }
0x68: {  	_ =	shalt  }
0x69: {  	_ =	shalt  }
0x6a: {  	_ =	shalt  }
0x6b: {  	_ =	shalt  }
0x6c: {  	_ =	shalt  }
0x6d: {  	_ =	shalt  }
0x6e: {  	_ =	shalt  }
0x6f: {  	_ =	shalt  }
0x70: {  	_ =	shalt  }
0x71: {  	_ =	shalt  }
0x72: {  	_ =	shalt  }
0x73: {  	_ =	shalt  }
0x74: {  	_ =	shalt  }
0x75: {  	_ =	shalt  }
0x76: {  	_ =	shalt  }
0x77: {  	_ =	shalt  }
0x78: {  	_ =	shalt  }
0x79: {  	_ =	shalt  }
0x7a: {  	_ =	shalt  }
0x7b: {  	_ =	shalt  }
0x7c: {  	_ =	shalt  }
0x7d: {  	_ =	shalt  }
0x7e: {  	_ =	shalt  }
0x7f: {  	_ =	shalt  }
0x80: {  	_ =	shalt  }
0x81: {  	_ =	shalt  }
0x82: {  	_ =	shalt  }
0x83: {  	_ =	shalt  }
0x84: {  	_ =	shalt  }
0x85: {  	_ =	shalt  }
0x86: {  	_ =	shalt  }
0x87: {  	_ =	shalt  }
.Lfunc_end0:
.L_simem_size_0:
called_computation.1_lowered:
.L_overlay_start_0:
0x88: {  	s2 =	sld [smem:$0x3FD9]  }
0x89: {  	s3 =	sld [smem:$0x3FFE];
	_ =	sdelay $0x1  }
0x8a: {  	s1 =	srdreg.scid  }
0x8b: {  	s0 =	sand.u32 $0x1, s1  }
0x8c: {  	s16 =	sshll.u32 s0, $0xA;
	s2 =	sadd.s32 s3, s2  }
0x8d: {  	s2 =	sadd.s32 s2, s16  }
0x8e: {  	[smem:$0x3FBF] =	sst s2  }
0x8f: {  	_ = 	snop  }
0x90: {  	(tm) =	ssettm $0x1  }
0x91: {  	s17 =	sld [smem:$0x3FFB];
	_ =	sdelay $0x3  }
0x92: {  	_ =	strace s17  }
0x93: {  	s2 =	sld [smem:$0x3FFC];
	_ =	sdelay $0x3  }
0x94: {  	_ =	strace s2  }
0x95: {  	s2 =	sld [smem:$0x3FFD];
	_ =	sdelay $0x3  }
0x96: {  	_ =	strace s2  }
0x97: {  	_ =	strace $0x8FFFFFFF  }
0x98: {  	s18 =	sld [smem:$0x3FDB];
	_ =	sdelay $0x1  }
0x99: {  	s19 =	simm.s32 $_scs_section_size  }
0x9a: {  	s4 =	simm.s32 $_size__tile_overlayer_lowered;
	s5 =	simm.s32 $_tile_overlayer_lowered  }
0x9b: {  	s22 =	simm.s32 $0x1BFF;
	s21 =	sshll.u32 s5, $0x1;
	s2 =	sadd.s32 s19, s18  }
0x9c: {  	s6 =	simm.s32 $0x0;
	s20 =	sshll.u32 s4, $0x1;
	s4 =	sadd.s32 s21, s2  }
0x9d: {  	[timem:s6], [sflag:s22] =	dma.local [hbm:s4], s20  }
0x9e: {  	_ =	swait.ge [sflag:s22], s20  }
0x9f: {  	s3 =	ssub.s32 $0x0, s20;
	[sflag:s22] =	ssyncset.done $0x0  }
0xa0: {  	[sflag:s22] =	ssyncadd.s32 s3;
	_ =	sdelay $0x1  }
0xa1: {  	s23 =	simm.s32 $0x1B8B  }
0xa2: {  	_ =	swait.ge [sflag:s23], $0x1  }
0xa3: {  	[sflag:s23] =	ssyncset.done $0x0  }
0xa4: {  	s25 =	simm.s32 $0x1B8E;
	s24 =	sld [smem:$0x3FFE];
	[sflag:s23] =	ssyncadd.s32 $0xFFFFFFFF  }
0xa5: {  	s26 =	simm.s32 $execute0_lowered;
	[smem:$0x3FD2] =	sst s25  }
0xa6: {  	s4 =	sshll.u32 s26, $0x1;
	_ =	strace $0x80000049;
	[dreg:$0x1] =	wrdreg $0xFFFFFFFF  }
0xa7: {  	s28 =	simm.s32 $_size_execute0_lowered;
	s2 =	sadd.s32 s2, s4;
	[dreg:$0x0] =	wrdreg $0x0  }
0xa8: {  	s4 =	sshll.u32 s28, $0x1;
	[dreg:$0x2] =	wrdreg s2  }
0xa9: {  	[dreg:$0x3] =	wrdreg s4  }
0xaa: {  	[dreg:$0x4] =	wrdreg $0xC0  }
0xab: {  	_ =	task [dreg:s6], $0x5FFFF  }
0xac: {  	[dreg:$0x1] =	wrdreg $0xFFFFFFFF  }
0xad: {  	[dreg:$0x0] =	wrdreg $0x60  }
0xae: {  	[dreg:$0x2] =	wrdreg s24  }
0xaf: {  	[dreg:$0x3] =	wrdreg $0x9  }
0xb0: {  	_ =	task.clear_ibuf [dreg:s6], $0x4FFFF;
	_ =	strace $0x90000049  }
0xb1: {  	s29 =	simm.s32 $0x9;
	_ =	strace $0x8000004B  }
0xb2: {  	_ =	swait.ge [sflag:s29], $0x1  }
0xb3: {  	[sflag:s29] =	ssyncadd.s32 $0xFFFFFFFF  }
0xb4: {  	_ =	strace $0x9000004B  }
0xb5: {  	_ =	sfence  }
0xb6: {  	s30 =	sld [smem:$0x0];
	_ =	sdelay $0x2  }
0xb7: {  	s31 =	sshll.u32 s1, $0xD;
	s1 =	sshrl.u32 s1, $0x2  }
0xb8: {  	s3 =	sand.u32 $0x4000, s31;
	s1 =	sadd.s32 s1, s30  }
0xb9: {  	s0 =	sor.u32 s3, s0;
	s1 =	sshll.u32 s1, $0x11  }
0xba: {  	s0 =	sor.u32 s1, s0  }
0xbb: {  	s0 =	sadd.s32 $0x8F2B, s0  }
0xbc: {  	[sflag:s0] =	ssyncadd.remote.s32 $0x1  }
0xbd: {  	_ =	sfence.sel $0xFFFF  }
0xbe: {  	[dreg:$0x0] =	wrdreg $0xFFFFFFFF;
	(pc) =	sbr.abs _section_cstart, $3  }
0xbf: {  	[dreg:$0x1] =	wrdreg $0xFFFFFFFF  }
0xc0: {  	_ =	task.clear_ibuf [dreg:s6], $0x2FFFF;
	_ =	strace $0x9FFFFFFF  }
0xc1: {  	(tm) =	ssettm $0x7FFFFFFF  }
tec
execute0_lowered:
.L_overlay_start_1:
0x0: {  	(tag) =	ssettag $0x1  }
0x1: {  	s0 =	srdreg.scid;
	s7 =	rddreg [dreg:$0x0];
	s2 =	simm.s32 $0x0  }
0x2: {  	s10 =	simm.s32 $0x3;
	s11 =	simm.s32 $0xA000;
	s12 =	simm.s32 $0x14000  }
0x3: {  	s13 =	simm.s32 $0x14800;
	s14 =	simm.s32 $0x1;
	s15 =	simm.s32 $0x2  }
0x4: {  	s16 =	simm.s32 $0x0;
	s3 =	sand.u32 $0x1, s0;
	s0 =	stileid.u32  }
0x5: {  	[smem:$0x7FF] =	sst s2;
	s6 =	sadd.s32 $0xC800, s7;
	s1 =	sshll.u32 s3, $0x4  }
.Ltmp0:
0x6: {  	s5 =	ssub.s32 $0x2, s3;
	s4 =	sor.u32 s0, s1;
	(pc) =	sbr.rel .LBB2_1-.Ltmp0, $4  }
0x7: {  	s3 =	sadd.s32 $0xC600, s7;
	s31 =	sshrl.u32 s5, $0x1;
	s4 =	smul.u32 $0x1400, s4  }
0x8: {  	s1 =	rddreg [dreg:$0x1];
	_ =	strace $0x8000004A;
	s9 =	ssub.s32 s5, s31  }
0x9: {  	s5 =	sadd.s32 $0xC700, s7;
	s9 =	smax.u32 s9, $0x1;
	s8 =	sadd.s32 s4, s7  }
0xa: {  	s7 =	sadd.s32 $0xC900, s7;
	s4 =	sadd.s32 $0x16600, s8;
	s8 =	sadd.s32 $0x3E600, s8  }
.LBB2_8:
0xb: {  	s16 =	sadd.s32 $0x1, s16  }
0xc: {  	p0 =	sne.s32 s16, s9  }
.Ltmp1:
0xd: {  	_ = 	snop;
	(pc) =	sbr.rel @!p0 .LBB2_9-.Ltmp1, $4  }
0xe: {  	[hbm4b:s8+s2] =	stream.linear.scatter [tilespmem:s11], [sflag:$0x3], $0xA000, $0x38;
	[tilespmem:$0x15000] =	vst v63  }
0xf: {  	_ =	swait.ge [sflag:s10], $0xA000  }
0x10: {  	[sflag:s10] =	ssyncset.done $0x0  }
0x11: {  	[sflag:s10] =	ssyncadd.s32 $0xFFFF6000  }
.LBB2_1:
0x12: {  	[tilespmem:s2], [sflag:$0x3] =	stream.linear.gather [hbm4b:s4+s2], $0xA000, $0x38;
	[tilespmem:$0x15000] =	vst v63  }
0x13: {  	_ =	swait.ge [sflag:s10], $0xA000  }
0x14: {  	[sflag:s10] =	ssyncset.done $0x0  }
0x15: {  	[sflag:s10] =	ssyncadd.s32 $0xFFFF6000  }
0x16: {  	[tilespmem:s11], [sflag:$0x3] =	stream.linear.gather [hbm4b:s4+s2], $0xA000, $0x38;
	[tilespmem:$0x15000] =	vst v63  }
0x17: {  	_ =	swait.ge [sflag:s10], $0xA000  }
0x18: {  	[sflag:s10] =	ssyncset.done $0x0  }
0x19: {  	[sflag:s10] =	ssyncadd.s32 $0xFFFF6000  }
0x1a: {  	[tilespmem:s12], [sflag:$0x1] =	stream.linear.gather [hbm4b:s3+s2], $0x800, $0x38;
	[tilespmem:$0x15000] =	vst v63  }
0x1b: {  	s17 =	simm.s32 $0x0  }
0x1c: {  	[tilespmem:s13], [sflag:$0x2] =	stream.linear.gather [hbm4b:s5+s2], $0x800, $0x38;
	[tilespmem:$0x15000] =	vst v63  }
.LBB2_2:
0x1d: {  	_ =	swait.ge [sflag:s14], $0x800  }
0x1e: {  	[sflag:s14] =	ssyncset.done $0x0  }
0x1f: {  	s18 =	simm.s32 $0x0;
	[sflag:s14] =	ssyncadd.s32 $0xFFFFF800  }
.LBB2_3:
0x20: {  	s19 =	sshra.s32 s18, $0x2  }
0x21: {  	v0 =	vld [tilespmem:s19+$0x14000];
	_ =	sdelay $0x4  }
0x22: {  	v1 =	vand.u32 $0x3FFF, v0;
	_ =	sdelay $0x3  }
0x23: {  	v2 =	vadd.s32 $0x2800, v1  }
0x24: {  	v3 =	vshrl.u32 v0, $0xE;
	v0 =	vand.u32 $0x7F, v0;
	v2 =	vand.u32 $0x7F80, v2;
	v4 =	vld.idx.msk [tilespmem:v1+s2+$0x0], $0xffff  }
0x25: {  	v2 =	vor.u32 v0, v2;
	_ =	sdelay $0x2  }
0x26: {  	v5 =	vadd.s32 $0x2800, v3  }
0x27: {  	v6 =	vand.u32 $0x7F, v3;
	v31 =	vadd.s32 $0x5000, v1;
	v30 =	vand.u32 $0x7FF80, v5;
	[tilespmem:v3+s11+$0x0] =	vst.idx.add.f32.msk $0xffff, v4  }
0x28: {  	v5 =	vand.u32 $0xFF80, v31;
	v4 =	vor.u32 v6, v30;
	v2 =	vld.idx.msk [tilespmem:v2+s2+$0x0], $0xffff  }
0x29: {  	v5 =	vor.u32 v0, v5;
	_ =	sdelay $0x2  }
0x2a: {  	v7 =	vadd.s32 $0x5000, v3  }
0x2b: {  	v32 =	vand.u32 $0x7FF80, v7;
	v1 =	vadd.s32 $0x7800, v1;
	[tilespmem:v4+s11+$0x0] =	vst.idx.add.f32.msk $0xffff, v2  }
0x2c: {  	v1 =	vand.u32 $0xFF80, v1;
	v2 =	vor.u32 v6, v32;
	v4 =	vld.idx.msk [tilespmem:v5+s2+$0x0], $0xffff  }
0x2d: {  	v0 =	vor.u32 v0, v1;
	_ =	sdelay $0x2  }
0x2e: {  	v33 =	vadd.s32 $0x7800, v3  }
0x2f: {  	v1 =	vand.u32 $0x7FF80, v33;
	[tilespmem:v2+s11+$0x0] =	vst.idx.add.f32.msk $0xffff, v4  }
0x30: {  	v1 =	vor.u32 v6, v1;
	v0 =	vld.idx.msk [tilespmem:v0+s2+$0x0], $0xffff;
	_ =	sdelay $0x4  }
0x31: {  	[tilespmem:v1+s11+$0x0] =	vst.idx.add.f32.msk $0xffff, v0  }
0x32: {  	v0 =	vld [tilespmem:s19+$0x14010];
	_ =	sdelay $0x4  }
0x33: {  	v34 =	vand.u32 $0x3FFF, v0;
	_ =	sdelay $0x3  }
0x34: {  	v35 =	vadd.s32 $0x2800, v34  }
0x35: {  	v36 =	vshrl.u32 v0, $0xE;
	v0 =	vand.u32 $0x7F, v0;
	v2 =	vand.u32 $0x7F80, v35;
	v4 =	vld.idx.msk [tilespmem:v34+s2+$0x0], $0xffff  }
0x36: {  	v2 =	vor.u32 v0, v2;
	_ =	sdelay $0x2  }
0x37: {  	v37 =	vadd.s32 $0x2800, v36  }
0x38: {  	v38 =	vand.u32 $0x7F, v36;
	v40 =	vadd.s32 $0x5000, v34;
	v39 =	vand.u32 $0x7FF80, v37;
	[tilespmem:v36+s11+$0x0] =	vst.idx.add.f32.msk $0xffff, v4  }
0x39: {  	v5 =	vand.u32 $0xFF80, v40;
	v4 =	vor.u32 v38, v39;
	v2 =	vld.idx.msk [tilespmem:v2+s2+$0x0], $0xffff  }
0x3a: {  	v5 =	vor.u32 v0, v5;
	_ =	sdelay $0x2  }
0x3b: {  	v41 =	vadd.s32 $0x5000, v36  }
0x3c: {  	v1 =	vadd.s32 $0x7800, v34;
	v42 =	vand.u32 $0x7FF80, v41;
	[tilespmem:v4+s11+$0x0] =	vst.idx.add.f32.msk $0xffff, v2  }
0x3d: {  	v1 =	vand.u32 $0xFF80, v1;
	v2 =	vor.u32 v38, v42;
	v4 =	vld.idx.msk [tilespmem:v5+s2+$0x0], $0xffff  }
0x3e: {  	v0 =	vor.u32 v0, v1;
	_ =	sdelay $0x2  }
0x3f: {  	v43 =	vadd.s32 $0x7800, v36  }
0x40: {  	v1 =	vand.u32 $0x7FF80, v43;
	[tilespmem:v2+s11+$0x0] =	vst.idx.add.f32.msk $0xffff, v4  }
0x41: {  	v1 =	vor.u32 v38, v1;
	v0 =	vld.idx.msk [tilespmem:v0+s2+$0x0], $0xffff;
	_ =	sdelay $0x4  }
0x42: {  	[tilespmem:v1+s11+$0x0] =	vst.idx.add.f32.msk $0xffff, v0  }
0x43: {  	v0 =	vld [tilespmem:s19+$0x14020];
	_ =	sdelay $0x4  }
0x44: {  	v44 =	vand.u32 $0x3FFF, v0;
	_ =	sdelay $0x3  }
0x45: {  	v45 =	vadd.s32 $0x2800, v44  }
0x46: {  	v46 =	vshrl.u32 v0, $0xE;
	v0 =	vand.u32 $0x7F, v0;
	v2 =	vand.u32 $0x7F80, v45;
	v4 =	vld.idx.msk [tilespmem:v44+s2+$0x0], $0xffff  }
0x47: {  	v2 =	vor.u32 v0, v2;
	_ =	sdelay $0x2  }
0x48: {  	v47 =	vadd.s32 $0x2800, v46  }
0x49: {  	v48 =	vand.u32 $0x7F, v46;
	v50 =	vadd.s32 $0x5000, v44;
	v49 =	vand.u32 $0x7FF80, v47;
	[tilespmem:v46+s11+$0x0] =	vst.idx.add.f32.msk $0xffff, v4  }
0x4a: {  	v5 =	vand.u32 $0xFF80, v50;
	v4 =	vor.u32 v48, v49;
	v2 =	vld.idx.msk [tilespmem:v2+s2+$0x0], $0xffff  }
0x4b: {  	v5 =	vor.u32 v0, v5;
	_ =	sdelay $0x2  }
0x4c: {  	v51 =	vadd.s32 $0x5000, v46  }
0x4d: {  	v1 =	vadd.s32 $0x7800, v44;
	v52 =	vand.u32 $0x7FF80, v51;
	[tilespmem:v4+s11+$0x0] =	vst.idx.add.f32.msk $0xffff, v2  }
0x4e: {  	v1 =	vand.u32 $0xFF80, v1;
	v2 =	vor.u32 v48, v52;
	v4 =	vld.idx.msk [tilespmem:v5+s2+$0x0], $0xffff  }
0x4f: {  	v0 =	vor.u32 v0, v1;
	_ =	sdelay $0x2  }
0x50: {  	v53 =	vadd.s32 $0x7800, v46  }
0x51: {  	v1 =	vand.u32 $0x7FF80, v53;
	[tilespmem:v2+s11+$0x0] =	vst.idx.add.f32.msk $0xffff, v4  }
0x52: {  	v1 =	vor.u32 v48, v1;
	v0 =	vld.idx.msk [tilespmem:v0+s2+$0x0], $0xffff;
	_ =	sdelay $0x4  }
0x53: {  	[tilespmem:v1+s11+$0x0] =	vst.idx.add.f32.msk $0xffff, v0  }
0x54: {  	v0 =	vld [tilespmem:s19+$0x14030];
	_ =	sdelay $0x4  }
0x55: {  	v54 =	vand.u32 $0x3FFF, v0;
	_ =	sdelay $0x3  }
0x56: {  	v55 =	vadd.s32 $0x2800, v54  }
0x57: {  	v56 =	vshrl.u32 v0, $0xE;
	v0 =	vand.u32 $0x7F, v0;
	v2 =	vand.u32 $0x7F80, v55;
	v4 =	vld.idx.msk [tilespmem:v54+s2+$0x0], $0xffff  }
0x58: {  	v2 =	vor.u32 v0, v2;
	_ =	sdelay $0x2  }
0x59: {  	v57 =	vadd.s32 $0x2800, v56  }
0x5a: {  	v58 =	vand.u32 $0x7F, v56;
	v60 =	vadd.s32 $0x5000, v54;
	v59 =	vand.u32 $0x7FF80, v57;
	[tilespmem:v56+s11+$0x0] =	vst.idx.add.f32.msk $0xffff, v4  }
0x5b: {  	v5 =	vand.u32 $0xFF80, v60;
	v4 =	vor.u32 v58, v59;
	v2 =	vld.idx.msk [tilespmem:v2+s2+$0x0], $0xffff  }
0x5c: {  	v5 =	vor.u32 v0, v5;
	_ =	sdelay $0x2  }
0x5d: {  	v61 =	vadd.s32 $0x5000, v56  }
0x5e: {  	v1 =	vadd.s32 $0x7800, v54;
	v62 =	vand.u32 $0x7FF80, v61;
	[tilespmem:v4+s11+$0x0] =	vst.idx.add.f32.msk $0xffff, v2  }
0x5f: {  	v1 =	vand.u32 $0xFF80, v1;
	v2 =	vor.u32 v58, v62;
	v4 =	vld.idx.msk [tilespmem:v5+s2+$0x0], $0xffff  }
0x60: {  	v0 =	vor.u32 v0, v1;
	_ =	sdelay $0x2  }
0x61: {  	v63 =	vadd.s32 $0x7800, v56  }
0x62: {  	v1 =	vand.u32 $0x7FF80, v63;
	[tilespmem:v2+s11+$0x0] =	vst.idx.add.f32.msk $0xffff, v4  }
0x63: {  	p0 =	sne.s32 s18, $0x1F00;
	v1 =	vor.u32 v58, v1;
	v0 =	vld.idx.msk [tilespmem:v0+s2+$0x0], $0xffff  }
.Ltmp2:
0x64: {  	_ = 	snop;
	(pc) =	sbr.rel @p0 .LBB2_3-.Ltmp2, $2  }
0x65: {  	_ =	sdelay $0x2  }
0x66: {  	s18 =	sadd.s32 $0x100, s18;
	[tilespmem:v1+s11+$0x0] =	vst.idx.add.f32.msk $0xffff, v0  }
0x67: {  	s18 =	sshll.u32 s17, $0x9;
	p0 =	seq.s32 s17, $0x4F  }
0x68: {  	s19 =	sadd.s32 @!p0 s18, s6;
	s20 =	simm.s32 @!p0 $0x0;
	s21 =	simm.s32 @!p0 $0x14000  }
0x69: {  	[tilespmem:s21], [sflag:$0x1] =	stream.linear.gather @!p0 [hbm4b:s19+s20], $0x800, $0x38;
	[tilespmem:$0x15000] =	vst v63  }
0x6a: {  	_ =	swait.ge [sflag:s15], $0x800  }
0x6b: {  	[sflag:s15] =	ssyncset.done $0x0  }
0x6c: {  	s19 =	simm.s32 $0x0;
	[sflag:s15] =	ssyncadd.s32 $0xFFFFF800  }
.LBB2_5:
0x6d: {  	s20 =	sshra.s32 s19, $0x2  }
0x6e: {  	v0 =	vld [tilespmem:s20+$0x14800];
	_ =	sdelay $0x4  }
0x6f: {  	v1 =	vand.u32 $0x3FFF, v0;
	_ =	sdelay $0x3  }
0x70: {  	v2 =	vadd.s32 $0x2800, v1  }
0x71: {  	v3 =	vshrl.u32 v0, $0xE;
	v0 =	vand.u32 $0x7F, v0;
	v2 =	vand.u32 $0x7F80, v2;
	v4 =	vld.idx.msk [tilespmem:v1+s2+$0x0], $0xffff  }
0x72: {  	v2 =	vor.u32 v0, v2;
	_ =	sdelay $0x2  }
0x73: {  	v5 =	vadd.s32 $0x2800, v3  }
0x74: {  	v6 =	vand.u32 $0x7F, v3;
	v31 =	vadd.s32 $0x5000, v1;
	v30 =	vand.u32 $0x7FF80, v5;
	[tilespmem:v3+s11+$0x0] =	vst.idx.add.f32.msk $0xffff, v4  }
0x75: {  	v5 =	vand.u32 $0xFF80, v31;
	v4 =	vor.u32 v6, v30;
	v2 =	vld.idx.msk [tilespmem:v2+s2+$0x0], $0xffff  }
0x76: {  	v5 =	vor.u32 v0, v5;
	_ =	sdelay $0x2  }
0x77: {  	v7 =	vadd.s32 $0x5000, v3  }
0x78: {  	v32 =	vand.u32 $0x7FF80, v7;
	v1 =	vadd.s32 $0x7800, v1;
	[tilespmem:v4+s11+$0x0] =	vst.idx.add.f32.msk $0xffff, v2  }
0x79: {  	v1 =	vand.u32 $0xFF80, v1;
	v2 =	vor.u32 v6, v32;
	v4 =	vld.idx.msk [tilespmem:v5+s2+$0x0], $0xffff  }
0x7a: {  	v0 =	vor.u32 v0, v1;
	_ =	sdelay $0x2  }
0x7b: {  	v33 =	vadd.s32 $0x7800, v3  }
0x7c: {  	v1 =	vand.u32 $0x7FF80, v33;
	[tilespmem:v2+s11+$0x0] =	vst.idx.add.f32.msk $0xffff, v4  }
0x7d: {  	v1 =	vor.u32 v6, v1;
	v0 =	vld.idx.msk [tilespmem:v0+s2+$0x0], $0xffff;
	_ =	sdelay $0x4  }
0x7e: {  	[tilespmem:v1+s11+$0x0] =	vst.idx.add.f32.msk $0xffff, v0  }
0x7f: {  	v0 =	vld [tilespmem:s20+$0x14810];
	_ =	sdelay $0x4  }
0x80: {  	v34 =	vand.u32 $0x3FFF, v0;
	_ =	sdelay $0x3  }
0x81: {  	v35 =	vadd.s32 $0x2800, v34  }
0x82: {  	v36 =	vshrl.u32 v0, $0xE;
	v0 =	vand.u32 $0x7F, v0;
	v2 =	vand.u32 $0x7F80, v35;
	v4 =	vld.idx.msk [tilespmem:v34+s2+$0x0], $0xffff  }
0x83: {  	v2 =	vor.u32 v0, v2;
	_ =	sdelay $0x2  }
0x84: {  	v37 =	vadd.s32 $0x2800, v36  }
0x85: {  	v38 =	vand.u32 $0x7F, v36;
	v40 =	vadd.s32 $0x5000, v34;
	v39 =	vand.u32 $0x7FF80, v37;
	[tilespmem:v36+s11+$0x0] =	vst.idx.add.f32.msk $0xffff, v4  }
0x86: {  	v5 =	vand.u32 $0xFF80, v40;
	v4 =	vor.u32 v38, v39;
	v2 =	vld.idx.msk [tilespmem:v2+s2+$0x0], $0xffff  }
0x87: {  	v5 =	vor.u32 v0, v5;
	_ =	sdelay $0x2  }
0x88: {  	v41 =	vadd.s32 $0x5000, v36  }
0x89: {  	v1 =	vadd.s32 $0x7800, v34;
	v42 =	vand.u32 $0x7FF80, v41;
	[tilespmem:v4+s11+$0x0] =	vst.idx.add.f32.msk $0xffff, v2  }
0x8a: {  	v1 =	vand.u32 $0xFF80, v1;
	v2 =	vor.u32 v38, v42;
	v4 =	vld.idx.msk [tilespmem:v5+s2+$0x0], $0xffff  }
0x8b: {  	v0 =	vor.u32 v0, v1;
	_ =	sdelay $0x2  }
0x8c: {  	v43 =	vadd.s32 $0x7800, v36  }
0x8d: {  	v1 =	vand.u32 $0x7FF80, v43;
	[tilespmem:v2+s11+$0x0] =	vst.idx.add.f32.msk $0xffff, v4  }
0x8e: {  	v1 =	vor.u32 v38, v1;
	v0 =	vld.idx.msk [tilespmem:v0+s2+$0x0], $0xffff;
	_ =	sdelay $0x4  }
0x8f: {  	[tilespmem:v1+s11+$0x0] =	vst.idx.add.f32.msk $0xffff, v0  }
0x90: {  	v0 =	vld [tilespmem:s20+$0x14820];
	_ =	sdelay $0x4  }
0x91: {  	v44 =	vand.u32 $0x3FFF, v0;
	_ =	sdelay $0x3  }
0x92: {  	v45 =	vadd.s32 $0x2800, v44  }
0x93: {  	v46 =	vshrl.u32 v0, $0xE;
	v0 =	vand.u32 $0x7F, v0;
	v2 =	vand.u32 $0x7F80, v45;
	v4 =	vld.idx.msk [tilespmem:v44+s2+$0x0], $0xffff  }
0x94: {  	v2 =	vor.u32 v0, v2;
	_ =	sdelay $0x2  }
0x95: {  	v47 =	vadd.s32 $0x2800, v46  }
0x96: {  	v48 =	vand.u32 $0x7F, v46;
	v50 =	vadd.s32 $0x5000, v44;
	v49 =	vand.u32 $0x7FF80, v47;
	[tilespmem:v46+s11+$0x0] =	vst.idx.add.f32.msk $0xffff, v4  }
0x97: {  	v5 =	vand.u32 $0xFF80, v50;
	v4 =	vor.u32 v48, v49;
	v2 =	vld.idx.msk [tilespmem:v2+s2+$0x0], $0xffff  }
0x98: {  	v5 =	vor.u32 v0, v5;
	_ =	sdelay $0x2  }
0x99: {  	v51 =	vadd.s32 $0x5000, v46  }
0x9a: {  	v1 =	vadd.s32 $0x7800, v44;
	v52 =	vand.u32 $0x7FF80, v51;
	[tilespmem:v4+s11+$0x0] =	vst.idx.add.f32.msk $0xffff, v2  }
0x9b: {  	v1 =	vand.u32 $0xFF80, v1;
	v2 =	vor.u32 v48, v52;
	v4 =	vld.idx.msk [tilespmem:v5+s2+$0x0], $0xffff  }
0x9c: {  	v0 =	vor.u32 v0, v1;
	_ =	sdelay $0x2  }
0x9d: {  	v53 =	vadd.s32 $0x7800, v46  }
0x9e: {  	v1 =	vand.u32 $0x7FF80, v53;
	[tilespmem:v2+s11+$0x0] =	vst.idx.add.f32.msk $0xffff, v4  }
0x9f: {  	v1 =	vor.u32 v48, v1;
	v0 =	vld.idx.msk [tilespmem:v0+s2+$0x0], $0xffff;
	_ =	sdelay $0x4  }
0xa0: {  	[tilespmem:v1+s11+$0x0] =	vst.idx.add.f32.msk $0xffff, v0  }
0xa1: {  	v0 =	vld [tilespmem:s20+$0x14830];
	_ =	sdelay $0x4  }
0xa2: {  	v54 =	vand.u32 $0x3FFF, v0;
	_ =	sdelay $0x3  }
0xa3: {  	v55 =	vadd.s32 $0x2800, v54  }
0xa4: {  	v56 =	vshrl.u32 v0, $0xE;
	v0 =	vand.u32 $0x7F, v0;
	v2 =	vand.u32 $0x7F80, v55;
	v4 =	vld.idx.msk [tilespmem:v54+s2+$0x0], $0xffff  }
0xa5: {  	v2 =	vor.u32 v0, v2;
	_ =	sdelay $0x2  }
0xa6: {  	v57 =	vadd.s32 $0x2800, v56  }
0xa7: {  	v58 =	vand.u32 $0x7F, v56;
	v60 =	vadd.s32 $0x5000, v54;
	v59 =	vand.u32 $0x7FF80, v57;
	[tilespmem:v56+s11+$0x0] =	vst.idx.add.f32.msk $0xffff, v4  }
0xa8: {  	v5 =	vand.u32 $0xFF80, v60;
	v4 =	vor.u32 v58, v59;
	v2 =	vld.idx.msk [tilespmem:v2+s2+$0x0], $0xffff  }
0xa9: {  	v5 =	vor.u32 v0, v5;
	_ =	sdelay $0x2  }
0xaa: {  	v61 =	vadd.s32 $0x5000, v56  }
0xab: {  	v1 =	vadd.s32 $0x7800, v54;
	v62 =	vand.u32 $0x7FF80, v61;
	[tilespmem:v4+s11+$0x0] =	vst.idx.add.f32.msk $0xffff, v2  }
0xac: {  	v1 =	vand.u32 $0xFF80, v1;
	v2 =	vor.u32 v58, v62;
	v4 =	vld.idx.msk [tilespmem:v5+s2+$0x0], $0xffff  }
0xad: {  	v0 =	vor.u32 v0, v1;
	_ =	sdelay $0x2  }
0xae: {  	v63 =	vadd.s32 $0x7800, v56  }
0xaf: {  	v1 =	vand.u32 $0x7FF80, v63;
	[tilespmem:v2+s11+$0x0] =	vst.idx.add.f32.msk $0xffff, v4  }
0xb0: {  	p1 =	sne.s32 s19, $0x1F00;
	v1 =	vor.u32 v58, v1;
	v0 =	vld.idx.msk [tilespmem:v0+s2+$0x0], $0xffff  }
.Ltmp3:
0xb1: {  	_ = 	snop;
	(pc) =	sbr.rel @p1 .LBB2_5-.Ltmp3, $2  }
0xb2: {  	_ =	sdelay $0x2  }
0xb3: {  	s19 =	sadd.s32 $0x100, s19;
	[tilespmem:v1+s11+$0x0] =	vst.idx.add.f32.msk $0xffff, v0  }
.Ltmp4:
0xb4: {  	(pc) =	sbr.rel @p0 .LBB2_8-.Ltmp4, $1  }
0xb5: {  	_ =	sdelay $0x3  }
.Ltmp5:
0xb6: {  	(pc) =	sbr.rel .LBB2_2-.Ltmp5, $3  }
0xb7: {  	_ =	sdelay $0x1  }
0xb8: {  	s18 =	sadd.s32 s18, s7;
	s17 =	sadd.s32 $0x1, s17  }
0xb9: {  	[tilespmem:s13], [sflag:$0x2] =	stream.linear.gather [hbm4b:s18+s2], $0x800, $0x38;
	[tilespmem:$0x15000] =	vst v63  }
.LBB2_9:
0xba: {  	_ =	sfence.sel $0x180000  }
0xbb: {  	[bflag:$0x0] =	sbarrier.arrive $0xFFFF  }
0xbc: {  	p0 =	sne.s32 s0, $0x0;
	_ =	strace $0x9000004A  }
0xbd: {  	s0 =	sadd.s32 @!p0 $0x100000, s1;
	[bflag:$0x2] =	sbarrier.arrive $0xFFFF  }
0xbe: {  	[sflag:s0] =	ssyncadd.tile.s32 @!p0 $0x1;
	_ =	shalt  }
.Lfunc_end2:
_tile_overlayer_lowered:
.L_overlay_start_2:
0xbf: {  	(tag) =	ssettag $0x2  }
0xc0: {  	s0 =	rddreg [dreg:$0x0];
	s2 =	stileid.u32  }
0xc1: {  	s1 =	rddreg [dreg:$0x1];
	p0 =	sne.s32 s2, $0x0  }
0xc2: {  	s3 =	rddreg [dreg:$0x2];
	[bflag:$0x3] =	sbarrier.arrive $0xFFFF;
	s2 =	simm.s32 @!p0 $0x1C03  }
0xc3: {  	[timem:s3], [sflag:s2] =	dma.local @!p0 [hbm:s0], s1  }
0xc4: {  	s0 =	simm.s32 @!p0 $0x3  }
0xc5: {  	_ =	swait.ge @!p0 [sflag:s0], s1  }
0xc6: {  	s1 =	ssub.s32 @!p0 $0x0, s1;
	[sflag:s0] =	ssyncset.done @!p0 $0x0  }
0xc7: {  	[sflag:s0] =	ssyncadd.s32 @!p0 s1  }
0xc8: {  	[bflag:$0x3] =	sbarrier.arrive $0xFFFF  }
0xc9: {  	_ =	shalt  }

// kernel: kernel.14.cloned.1.call-start
scs
__scs_entry_jumppad:
0x0: {  	(pc) =	sbr.rel $0x88, $3  }
0x1: {  	(tag) =	ssettag $0x0;
	lr =	simm.s32 $0x1  }
0x2: {  	[smem:$0x3F98] =	sst lr;
	_ =	strace $0xD0000000  }
0x3: {  	_ = 	snop  }
0x4: {  	_ = 	snop  }
0x5: {  	_ = 	snop  }
0x6: {  	_ = 	snop  }
0x7: {  	_ = 	snop  }
__scs_overlays_trampoline_lowered:
0x8: {  	[smem:$0x3FA7] =	sst s0  }
0x9: {  	[smem:$0x3FA8] =	sst s1  }
0xa: {  	[smem:$0x3FA9] =	sst s2  }
0xb: {  	[smem:$0x3FAA] =	sst s3  }
0xc: {  	[smem:$0x3FAB] =	sst s4  }
0xd: {  	[smem:$0x3FAC] =	sst s5  }
0xe: {  	[smem:$0x3FAD] =	sst s6  }
0xf: {  	[smem:$0x3FAE] =	sst s7  }
0x10: {  	[smem:$0x3FAF] =	sst s8  }
0x11: {  	[smem:$0x3FB0] =	sst s9;
	s0 =	simm.s32 @!p0 $0x0  }
0x12: {  	s1 =	sld [smem:$0x3F96];
	s0 =	simm.s32 @p0 $0x1  }
0x13: {  	[smem:$0x3FB1] =	sst s0;
	s0 =	simm.s32 @!p1 $0x0  }
0x14: {  	s2 =	sld [smem:$0x3F95];
	s0 =	simm.s32 @p1 $0x1  }
0x15: {  	[smem:$0x3FB2] =	sst s0;
	s0 =	simm.s32 @!p2 $0x0  }
0x16: {  	s3 =	sld [smem:$0x3FDB];
	s0 =	simm.s32 @p2 $0x1  }
0x17: {  	s4 =	simm.s32 $0x1BF5;
	[smem:$0x3FB4] =	sst s0  }
0x18: {  	s0 =	sld [smem:$0x3F97];
	_ =	swait.ge [sflag:s4], $0x0  }
0x19: {  	s7 =	sld [smem:$0x3F98]  }
0x1a: {  	s8 =	sadd.s32 $0xFFFFE003, lr  }
0x1b: {  	s9 =	sadd.s32 $0xFFFFFEF7, lr;
	s5 =	simm.s32 $0xFFFFFFFF;
	p2 =	slt.u32 s8, $0xFFFFF086  }
0x1c: {  	p1 =	slt.u32 s9, $0xF7A;
	s5 =	simm.s32 @!p2 $0x0  }
0x1d: {  	s5 =	simm.s32 @p1 $0x1;
	p0 =	seq.s32 s7, s2  }
0x1e: {  	s7 =	smul.u32 @!p0 $0xF7A, s2;
	p2 =	seq.s32 @!p0 s5, $0x0  }
0x1f: {  	s9 =	smul.u32 $0xF7A, s1;
	s8 =	simm.s32 @!p0 $0x1BF5;
	p2 =	por !p2, p0  }
0x20: {  	[sflag:s8] =	ssyncset.s32 @!p0 $0xFFFFF086;
	s6 =	sadd.s32 @!p0 s3, s7;
	s7 =	simm.s32 @!p0 $0x108  }
0x21: {  	s3 =	sadd.s32 s3, s9;
	s6 =	sadd.s32 @!p0 $0x88, s6;
	s7 =	simm.s32 @p2 $0x1082  }
0x22: {  	[simem:s7], [sflag:s8] =	dma.local @!p0 [hbm:s6], $0xF7A  }
0x23: {  	s9 =	sor.u32 $0xD0000000, s2;
	s6 =	simm.s32 $0x108;
	_ =	swait.ge @!p0 [sflag:s8], $0x0  }
0x24: {  	s3 =	sadd.s32 $0x88, s3;
	s6 =	simm.s32 @!p1 $0x1082;
	[sflag:s4] =	ssyncset.s32 $0xFFFFF086  }
0x25: {  	[simem:s6], [sflag:s4] =	dma.local [hbm:s3], $0xF7A  }
0x26: {  	[smem:$0x3F98] =	sst s1;
	(tag) =	ssettag s2;
	_ =	strace s9  }
0x27: {  	s1 =	sld [smem:$0x3FA8]  }
0x28: {  	s2 =	sld [smem:$0x3FA9]  }
0x29: {  	s4 =	sld [smem:$0x3FAB]  }
0x2a: {  	p0 =	seq.s32 s5, $0x0;
	s5 =	sld [smem:$0x3FAC]  }
0x2b: {  	s6 =	sld [smem:$0x3FAD]  }
0x2c: {  	s7 =	sld [smem:$0x3FAE]  }
0x2d: {  	s3 =	simm.s32 $0x108;
	s8 =	sld [smem:$0x3FAF]  }
0x2e: {  	s3 =	simm.s32 @!p0 $0x1082;
	s9 =	sld [smem:$0x3FB0]  }
0x2f: {  	lr =	sadd.s32 s0, s3;
	s0 =	sld [smem:$0x3FA7]  }
0x30: {  	s3 =	sld [smem:$0x3FAA]  }
0x31: {  	[smem:$0x3FB3] =	sst s10  }
0x32: {  	s10 =	sld [smem:$0x3FB1];
	_ =	sdelay $0x3  }
0x33: {  	p0 =	seq.s32 s10, $0x1;
	s10 =	sld [smem:$0x3FB3];
	_ =	sdelay $0x3  }
0x34: {  	[smem:$0x3FB3] =	sst s10  }
0x35: {  	s10 =	sld [smem:$0x3FB2];
	_ =	sdelay $0x3  }
0x36: {  	p1 =	seq.s32 s10, $0x1;
	s10 =	sld [smem:$0x3FB3];
	_ =	sdelay $0x3  }
0x37: {  	[smem:$0x3FB3] =	sst s10  }
0x38: {  	s10 =	sld [smem:$0x3FB4]  }
0x39: {  	_ = 	snop;
	(pc) =	sbr.ind lr, $3  }
0x3a: {  	_ = 	snop  }
0x3b: {  	_ = 	snop  }
0x3c: {  	p2 =	seq.s32 s10, $0x1;
	s10 =	sld [smem:$0x3FB3]  }
0x3d: {  	_ =	shalt  }
0x3e: {  	_ =	shalt  }
0x3f: {  	_ =	shalt  }
0x40: {  	_ =	shalt  }
0x41: {  	_ =	shalt  }
0x42: {  	_ =	shalt  }
0x43: {  	_ =	shalt  }
0x44: {  	_ =	shalt  }
0x45: {  	_ =	shalt  }
0x46: {  	_ =	shalt  }
0x47: {  	_ =	shalt  }
0x48: {  	_ =	shalt  }
0x49: {  	_ =	shalt  }
0x4a: {  	_ =	shalt  }
0x4b: {  	_ =	shalt  }
0x4c: {  	_ =	shalt  }
0x4d: {  	_ =	shalt  }
0x4e: {  	_ =	shalt  }
0x4f: {  	_ =	shalt  }
0x50: {  	_ =	shalt  }
0x51: {  	_ =	shalt  }
0x52: {  	_ =	shalt  }
0x53: {  	_ =	shalt  }
0x54: {  	_ =	shalt  }
0x55: {  	_ =	shalt  }
0x56: {  	_ =	shalt  }
0x57: {  	_ =	shalt  }
0x58: {  	_ =	shalt  }
0x59: {  	_ =	shalt  }
0x5a: {  	_ =	shalt  }
0x5b: {  	_ =	shalt  }
0x5c: {  	_ =	shalt  }
0x5d: {  	_ =	shalt  }
0x5e: {  	_ =	shalt  }
0x5f: {  	_ =	shalt  }
0x60: {  	_ =	shalt  }
0x61: {  	_ =	shalt  }
0x62: {  	_ =	shalt  }
0x63: {  	_ =	shalt  }
0x64: {  	_ =	shalt  }
0x65: {  	_ =	shalt  }
0x66: {  	_ =	shalt  }
0x67: {  	_ =	shalt  }
0x68: {  	_ =	shalt  }
0x69: {  	_ =	shalt  }
0x6a: {  	_ =	shalt  }
0x6b: {  	_ =	shalt  }
0x6c: {  	_ =	shalt  }
0x6d: {  	_ =	shalt  }
0x6e: {  	_ =	shalt  }
0x6f: {  	_ =	shalt  }
0x70: {  	_ =	shalt  }
0x71: {  	_ =	shalt  }
0x72: {  	_ =	shalt  }
0x73: {  	_ =	shalt  }
0x74: {  	_ =	shalt  }
0x75: {  	_ =	shalt  }
0x76: {  	_ =	shalt  }
0x77: {  	_ =	shalt  }
0x78: {  	_ =	shalt  }
0x79: {  	_ =	shalt  }
0x7a: {  	_ =	shalt  }
0x7b: {  	_ =	shalt  }
0x7c: {  	_ =	shalt  }
0x7d: {  	_ =	shalt  }
0x7e: {  	_ =	shalt  }
0x7f: {  	_ =	shalt  }
0x80: {  	_ =	shalt  }
0x81: {  	_ =	shalt  }
0x82: {  	_ =	shalt  }
0x83: {  	_ =	shalt  }
0x84: {  	_ =	shalt  }
0x85: {  	_ =	shalt  }
0x86: {  	_ =	shalt  }
0x87: {  	_ =	shalt  }
.Lfunc_end0:
.L_simem_size_0:
called_computation.2_lowered:
.L_overlay_start_0:
0x88: {  	s2 =	sld [smem:$0x3FD9]  }
0x89: {  	s3 =	sld [smem:$0x3FFE];
	_ =	sdelay $0x1  }
0x8a: {  	s1 =	srdreg.scid  }
0x8b: {  	s0 =	sand.u32 $0x1, s1  }
0x8c: {  	s16 =	sshll.u32 s0, $0xA;
	s2 =	sadd.s32 s3, s2  }
0x8d: {  	s2 =	sadd.s32 s2, s16  }
0x8e: {  	[smem:$0x3FBF] =	sst s2  }
0x8f: {  	_ = 	snop  }
0x90: {  	(tm) =	ssettm $0x1  }
0x91: {  	s17 =	sld [smem:$0x3FFB];
	_ =	sdelay $0x3  }
0x92: {  	_ =	strace s17  }
0x93: {  	s2 =	sld [smem:$0x3FFC];
	_ =	sdelay $0x3  }
0x94: {  	_ =	strace s2  }
0x95: {  	s2 =	sld [smem:$0x3FFD];
	_ =	sdelay $0x3  }
0x96: {  	_ =	strace s2  }
0x97: {  	_ =	strace $0x8FFFFFFF  }
0x98: {  	s18 =	sld [smem:$0x3FDB];
	_ =	sdelay $0x1  }
0x99: {  	s19 =	simm.s32 $_scs_section_size  }
0x9a: {  	s4 =	simm.s32 $_size__tile_overlayer_lowered;
	s5 =	simm.s32 $_tile_overlayer_lowered  }
0x9b: {  	s22 =	simm.s32 $0x1BFF;
	s21 =	sshll.u32 s5, $0x1;
	s2 =	sadd.s32 s19, s18  }
0x9c: {  	s6 =	simm.s32 $0x0;
	s20 =	sshll.u32 s4, $0x1;
	s4 =	sadd.s32 s21, s2  }
0x9d: {  	[timem:s6], [sflag:s22] =	dma.local [hbm:s4], s20  }
0x9e: {  	_ =	swait.ge [sflag:s22], s20  }
0x9f: {  	s3 =	ssub.s32 $0x0, s20;
	[sflag:s22] =	ssyncset.done $0x0  }
0xa0: {  	[sflag:s22] =	ssyncadd.s32 s3;
	_ =	sdelay $0x1  }
0xa1: {  	s23 =	simm.s32 $0x1B8B  }
0xa2: {  	_ =	swait.ge [sflag:s23], $0x1  }
0xa3: {  	[sflag:s23] =	ssyncset.done $0x0  }
0xa4: {  	s25 =	simm.s32 $0x1B8E;
	s24 =	sld [smem:$0x3FFE];
	[sflag:s23] =	ssyncadd.s32 $0xFFFFFFFF  }
0xa5: {  	s26 =	simm.s32 $execute0_lowered;
	[smem:$0x3FD2] =	sst s25  }
0xa6: {  	s4 =	sshll.u32 s26, $0x1;
	_ =	strace $0x8000004C;
	[dreg:$0x1] =	wrdreg $0xFFFFFFFF  }
0xa7: {  	s28 =	simm.s32 $_size_execute0_lowered;
	s2 =	sadd.s32 s2, s4;
	[dreg:$0x0] =	wrdreg $0x0  }
0xa8: {  	s4 =	sshll.u32 s28, $0x1;
	[dreg:$0x2] =	wrdreg s2  }
0xa9: {  	[dreg:$0x3] =	wrdreg s4  }
0xaa: {  	[dreg:$0x4] =	wrdreg $0xC0  }
0xab: {  	_ =	task [dreg:s6], $0x5FFFF  }
0xac: {  	[dreg:$0x1] =	wrdreg $0xFFFFFFFF  }
0xad: {  	[dreg:$0x0] =	wrdreg $0x60  }
0xae: {  	[dreg:$0x2] =	wrdreg s24  }
0xaf: {  	[dreg:$0x3] =	wrdreg $0x9  }
0xb0: {  	_ =	task.clear_ibuf [dreg:s6], $0x4FFFF;
	_ =	strace $0x9000004C  }
0xb1: {  	s29 =	simm.s32 $0x9;
	_ =	strace $0x8000004E  }
0xb2: {  	_ =	swait.ge [sflag:s29], $0x1  }
0xb3: {  	[sflag:s29] =	ssyncadd.s32 $0xFFFFFFFF  }
0xb4: {  	_ =	strace $0x9000004E  }
0xb5: {  	_ =	sfence  }
0xb6: {  	s30 =	sld [smem:$0x0];
	_ =	sdelay $0x2  }
0xb7: {  	s31 =	sshll.u32 s1, $0xD;
	s1 =	sshrl.u32 s1, $0x2  }
0xb8: {  	s3 =	sand.u32 $0x4000, s31;
	s1 =	sadd.s32 s1, s30  }
0xb9: {  	s0 =	sor.u32 s3, s0;
	s1 =	sshll.u32 s1, $0x11  }
0xba: {  	s0 =	sor.u32 s1, s0  }
0xbb: {  	s0 =	sadd.s32 $0x8F2B, s0  }
0xbc: {  	[sflag:s0] =	ssyncadd.remote.s32 $0x1  }
0xbd: {  	_ =	sfence.sel $0xFFFF  }
0xbe: {  	[dreg:$0x0] =	wrdreg $0xFFFFFFFF;
	(pc) =	sbr.abs _section_cstart, $3  }
0xbf: {  	[dreg:$0x1] =	wrdreg $0xFFFFFFFF  }
0xc0: {  	_ =	task.clear_ibuf [dreg:s6], $0x2FFFF;
	_ =	strace $0x9FFFFFFF  }
0xc1: {  	(tm) =	ssettm $0x7FFFFFFF  }
tec
execute0_lowered:
.L_overlay_start_1:
0x0: {  	(tag) =	ssettag $0x1  }
0x1: {  	s0 =	srdreg.scid;
	s7 =	rddreg [dreg:$0x0];
	s2 =	simm.s32 $0x0  }
0x2: {  	s10 =	simm.s32 $0x3;
	s11 =	simm.s32 $0xA000;
	s12 =	simm.s32 $0x14000  }
0x3: {  	s13 =	simm.s32 $0x14800;
	s14 =	simm.s32 $0x1;
	s15 =	simm.s32 $0x2  }
0x4: {  	s16 =	simm.s32 $0x0;
	s3 =	sand.u32 $0x1, s0;
	s0 =	stileid.u32  }
0x5: {  	[smem:$0x7FF] =	sst s2;
	s6 =	sadd.s32 $0xC800, s7;
	s1 =	sshll.u32 s3, $0x4  }
.Ltmp0:
0x6: {  	s5 =	ssub.s32 $0x2, s3;
	s4 =	sor.u32 s0, s1;
	(pc) =	sbr.rel .LBB2_1-.Ltmp0, $4  }
0x7: {  	s3 =	sadd.s32 $0xC600, s7;
	s31 =	sshrl.u32 s5, $0x1;
	s4 =	smul.u32 $0x1400, s4  }
0x8: {  	s1 =	rddreg [dreg:$0x1];
	_ =	strace $0x8000004D;
	s9 =	ssub.s32 s5, s31  }
0x9: {  	s5 =	sadd.s32 $0xC700, s7;
	s9 =	smax.u32 s9, $0x1;
	s8 =	sadd.s32 s4, s7  }
0xa: {  	s7 =	sadd.s32 $0xC900, s7;
	s4 =	sadd.s32 $0x16600, s8;
	s8 =	sadd.s32 $0x3E600, s8  }
.LBB2_8:
0xb: {  	s16 =	sadd.s32 $0x1, s16  }
0xc: {  	p0 =	sne.s32 s16, s9  }
.Ltmp1:
0xd: {  	_ = 	snop;
	(pc) =	sbr.rel @!p0 .LBB2_9-.Ltmp1, $4  }
0xe: {  	[hbm4b:s8+s2] =	stream.linear.scatter [tilespmem:s11], [sflag:$0x3], $0xA000, $0x38;
	[tilespmem:$0x15000] =	vst v63  }
0xf: {  	_ =	swait.ge [sflag:s10], $0xA000  }
0x10: {  	[sflag:s10] =	ssyncset.done $0x0  }
0x11: {  	[sflag:s10] =	ssyncadd.s32 $0xFFFF6000  }
.LBB2_1:
0x12: {  	[tilespmem:s2], [sflag:$0x3] =	stream.linear.gather [hbm4b:s4+s2], $0xA000, $0x38;
	[tilespmem:$0x15000] =	vst v63  }
0x13: {  	_ =	swait.ge [sflag:s10], $0xA000  }
0x14: {  	[sflag:s10] =	ssyncset.done $0x0  }
0x15: {  	[sflag:s10] =	ssyncadd.s32 $0xFFFF6000  }
0x16: {  	[tilespmem:s11], [sflag:$0x3] =	stream.linear.gather [hbm4b:s4+s2], $0xA000, $0x38;
	[tilespmem:$0x15000] =	vst v63  }
0x17: {  	_ =	swait.ge [sflag:s10], $0xA000  }
0x18: {  	[sflag:s10] =	ssyncset.done $0x0  }
0x19: {  	[sflag:s10] =	ssyncadd.s32 $0xFFFF6000  }
0x1a: {  	[tilespmem:s12], [sflag:$0x1] =	stream.linear.gather [hbm4b:s3+s2], $0x800, $0x38;
	[tilespmem:$0x15000] =	vst v63  }
0x1b: {  	s17 =	simm.s32 $0x0  }
0x1c: {  	[tilespmem:s13], [sflag:$0x2] =	stream.linear.gather [hbm4b:s5+s2], $0x800, $0x38;
	[tilespmem:$0x15000] =	vst v63  }
.LBB2_2:
0x1d: {  	_ =	swait.ge [sflag:s14], $0x800  }
0x1e: {  	[sflag:s14] =	ssyncset.done $0x0  }
0x1f: {  	s18 =	simm.s32 $0x0;
	[sflag:s14] =	ssyncadd.s32 $0xFFFFF800  }
.LBB2_3:
0x20: {  	s19 =	sshra.s32 s18, $0x2  }
0x21: {  	v0 =	vld [tilespmem:s19+$0x14000];
	_ =	sdelay $0x4  }
0x22: {  	v1 =	vand.u32 $0x3FFF, v0;
	_ =	sdelay $0x3  }
0x23: {  	v2 =	vadd.s32 $0x2800, v1  }
0x24: {  	v3 =	vshrl.u32 v0, $0xE;
	v0 =	vand.u32 $0x7F, v0;
	v2 =	vand.u32 $0x7F80, v2;
	v4 =	vld.idx.msk [tilespmem:v1+s2+$0x0], $0xffff  }
0x25: {  	v2 =	vor.u32 v0, v2;
	_ =	sdelay $0x2  }
0x26: {  	v5 =	vadd.s32 $0x2800, v3  }
0x27: {  	v6 =	vand.u32 $0x7F, v3;
	v31 =	vadd.s32 $0x5000, v1;
	v30 =	vand.u32 $0x7FF80, v5;
	[tilespmem:v3+s11+$0x0] =	vst.idx.add.f32.msk $0xffff, v4  }
0x28: {  	v5 =	vand.u32 $0xFF80, v31;
	v4 =	vor.u32 v6, v30;
	v2 =	vld.idx.msk [tilespmem:v2+s2+$0x0], $0xffff  }
0x29: {  	v5 =	vor.u32 v0, v5;
	_ =	sdelay $0x2  }
0x2a: {  	v7 =	vadd.s32 $0x5000, v3  }
0x2b: {  	v32 =	vand.u32 $0x7FF80, v7;
	v1 =	vadd.s32 $0x7800, v1;
	[tilespmem:v4+s11+$0x0] =	vst.idx.add.f32.msk $0xffff, v2  }
0x2c: {  	v1 =	vand.u32 $0xFF80, v1;
	v2 =	vor.u32 v6, v32;
	v4 =	vld.idx.msk [tilespmem:v5+s2+$0x0], $0xffff  }
0x2d: {  	v0 =	vor.u32 v0, v1;
	_ =	sdelay $0x2  }
0x2e: {  	v33 =	vadd.s32 $0x7800, v3  }
0x2f: {  	v1 =	vand.u32 $0x7FF80, v33;
	[tilespmem:v2+s11+$0x0] =	vst.idx.add.f32.msk $0xffff, v4  }
0x30: {  	v1 =	vor.u32 v6, v1;
	v0 =	vld.idx.msk [tilespmem:v0+s2+$0x0], $0xffff;
	_ =	sdelay $0x4  }
0x31: {  	[tilespmem:v1+s11+$0x0] =	vst.idx.add.f32.msk $0xffff, v0  }
0x32: {  	v0 =	vld [tilespmem:s19+$0x14010];
	_ =	sdelay $0x4  }
0x33: {  	v34 =	vand.u32 $0x3FFF, v0;
	_ =	sdelay $0x3  }
0x34: {  	v35 =	vadd.s32 $0x2800, v34  }
0x35: {  	v36 =	vshrl.u32 v0, $0xE;
	v0 =	vand.u32 $0x7F, v0;
	v2 =	vand.u32 $0x7F80, v35;
	v4 =	vld.idx.msk [tilespmem:v34+s2+$0x0], $0xffff  }
0x36: {  	v2 =	vor.u32 v0, v2;
	_ =	sdelay $0x2  }
0x37: {  	v37 =	vadd.s32 $0x2800, v36  }
0x38: {  	v38 =	vand.u32 $0x7F, v36;
	v40 =	vadd.s32 $0x5000, v34;
	v39 =	vand.u32 $0x7FF80, v37;
	[tilespmem:v36+s11+$0x0] =	vst.idx.add.f32.msk $0xffff, v4  }
0x39: {  	v5 =	vand.u32 $0xFF80, v40;
	v4 =	vor.u32 v38, v39;
	v2 =	vld.idx.msk [tilespmem:v2+s2+$0x0], $0xffff  }
0x3a: {  	v5 =	vor.u32 v0, v5;
	_ =	sdelay $0x2  }
0x3b: {  	v41 =	vadd.s32 $0x5000, v36  }
0x3c: {  	v1 =	vadd.s32 $0x7800, v34;
	v42 =	vand.u32 $0x7FF80, v41;
	[tilespmem:v4+s11+$0x0] =	vst.idx.add.f32.msk $0xffff, v2  }
0x3d: {  	v1 =	vand.u32 $0xFF80, v1;
	v2 =	vor.u32 v38, v42;
	v4 =	vld.idx.msk [tilespmem:v5+s2+$0x0], $0xffff  }
0x3e: {  	v0 =	vor.u32 v0, v1;
	_ =	sdelay $0x2  }
0x3f: {  	v43 =	vadd.s32 $0x7800, v36  }
0x40: {  	v1 =	vand.u32 $0x7FF80, v43;
	[tilespmem:v2+s11+$0x0] =	vst.idx.add.f32.msk $0xffff, v4  }
0x41: {  	v1 =	vor.u32 v38, v1;
	v0 =	vld.idx.msk [tilespmem:v0+s2+$0x0], $0xffff;
	_ =	sdelay $0x4  }
0x42: {  	[tilespmem:v1+s11+$0x0] =	vst.idx.add.f32.msk $0xffff, v0  }
0x43: {  	v0 =	vld [tilespmem:s19+$0x14020];
	_ =	sdelay $0x4  }
0x44: {  	v44 =	vand.u32 $0x3FFF, v0;
	_ =	sdelay $0x3  }
0x45: {  	v45 =	vadd.s32 $0x2800, v44  }
0x46: {  	v46 =	vshrl.u32 v0, $0xE;
	v0 =	vand.u32 $0x7F, v0;
	v2 =	vand.u32 $0x7F80, v45;
	v4 =	vld.idx.msk [tilespmem:v44+s2+$0x0], $0xffff  }
0x47: {  	v2 =	vor.u32 v0, v2;
	_ =	sdelay $0x2  }
0x48: {  	v47 =	vadd.s32 $0x2800, v46  }
0x49: {  	v48 =	vand.u32 $0x7F, v46;
	v50 =	vadd.s32 $0x5000, v44;
	v49 =	vand.u32 $0x7FF80, v47;
	[tilespmem:v46+s11+$0x0] =	vst.idx.add.f32.msk $0xffff, v4  }
0x4a: {  	v5 =	vand.u32 $0xFF80, v50;
	v4 =	vor.u32 v48, v49;
	v2 =	vld.idx.msk [tilespmem:v2+s2+$0x0], $0xffff  }
0x4b: {  	v5 =	vor.u32 v0, v5;
	_ =	sdelay $0x2  }
0x4c: {  	v51 =	vadd.s32 $0x5000, v46  }
0x4d: {  	v1 =	vadd.s32 $0x7800, v44;
	v52 =	vand.u32 $0x7FF80, v51;
	[tilespmem:v4+s11+$0x0] =	vst.idx.add.f32.msk $0xffff, v2  }
0x4e: {  	v1 =	vand.u32 $0xFF80, v1;
	v2 =	vor.u32 v48, v52;
	v4 =	vld.idx.msk [tilespmem:v5+s2+$0x0], $0xffff  }
0x4f: {  	v0 =	vor.u32 v0, v1;
	_ =	sdelay $0x2  }
0x50: {  	v53 =	vadd.s32 $0x7800, v46  }
0x51: {  	v1 =	vand.u32 $0x7FF80, v53;
	[tilespmem:v2+s11+$0x0] =	vst.idx.add.f32.msk $0xffff, v4  }
0x52: {  	v1 =	vor.u32 v48, v1;
	v0 =	vld.idx.msk [tilespmem:v0+s2+$0x0], $0xffff;
	_ =	sdelay $0x4  }
0x53: {  	[tilespmem:v1+s11+$0x0] =	vst.idx.add.f32.msk $0xffff, v0  }
0x54: {  	v0 =	vld [tilespmem:s19+$0x14030];
	_ =	sdelay $0x4  }
0x55: {  	v54 =	vand.u32 $0x3FFF, v0;
	_ =	sdelay $0x3  }
0x56: {  	v55 =	vadd.s32 $0x2800, v54  }
0x57: {  	v56 =	vshrl.u32 v0, $0xE;
	v0 =	vand.u32 $0x7F, v0;
	v2 =	vand.u32 $0x7F80, v55;
	v4 =	vld.idx.msk [tilespmem:v54+s2+$0x0], $0xffff  }
0x58: {  	v2 =	vor.u32 v0, v2;
	_ =	sdelay $0x2  }
0x59: {  	v57 =	vadd.s32 $0x2800, v56  }
0x5a: {  	v58 =	vand.u32 $0x7F, v56;
	v60 =	vadd.s32 $0x5000, v54;
	v59 =	vand.u32 $0x7FF80, v57;
	[tilespmem:v56+s11+$0x0] =	vst.idx.add.f32.msk $0xffff, v4  }
0x5b: {  	v5 =	vand.u32 $0xFF80, v60;
	v4 =	vor.u32 v58, v59;
	v2 =	vld.idx.msk [tilespmem:v2+s2+$0x0], $0xffff  }
0x5c: {  	v5 =	vor.u32 v0, v5;
	_ =	sdelay $0x2  }
0x5d: {  	v61 =	vadd.s32 $0x5000, v56  }
0x5e: {  	v1 =	vadd.s32 $0x7800, v54;
	v62 =	vand.u32 $0x7FF80, v61;
	[tilespmem:v4+s11+$0x0] =	vst.idx.add.f32.msk $0xffff, v2  }
0x5f: {  	v1 =	vand.u32 $0xFF80, v1;
	v2 =	vor.u32 v58, v62;
	v4 =	vld.idx.msk [tilespmem:v5+s2+$0x0], $0xffff  }
0x60: {  	v0 =	vor.u32 v0, v1;
	_ =	sdelay $0x2  }
0x61: {  	v63 =	vadd.s32 $0x7800, v56  }
0x62: {  	v1 =	vand.u32 $0x7FF80, v63;
	[tilespmem:v2+s11+$0x0] =	vst.idx.add.f32.msk $0xffff, v4  }
0x63: {  	p0 =	sne.s32 s18, $0x1F00;
	v1 =	vor.u32 v58, v1;
	v0 =	vld.idx.msk [tilespmem:v0+s2+$0x0], $0xffff  }
.Ltmp2:
0x64: {  	_ = 	snop;
	(pc) =	sbr.rel @p0 .LBB2_3-.Ltmp2, $2  }
0x65: {  	_ =	sdelay $0x2  }
0x66: {  	s18 =	sadd.s32 $0x100, s18;
	[tilespmem:v1+s11+$0x0] =	vst.idx.add.f32.msk $0xffff, v0  }
0x67: {  	s18 =	sshll.u32 s17, $0x9;
	p0 =	seq.s32 s17, $0x4F  }
0x68: {  	s19 =	sadd.s32 @!p0 s18, s6;
	s20 =	simm.s32 @!p0 $0x0;
	s21 =	simm.s32 @!p0 $0x14000  }
0x69: {  	[tilespmem:s21], [sflag:$0x1] =	stream.linear.gather @!p0 [hbm4b:s19+s20], $0x800, $0x38;
	[tilespmem:$0x15000] =	vst v63  }
0x6a: {  	_ =	swait.ge [sflag:s15], $0x800  }
0x6b: {  	[sflag:s15] =	ssyncset.done $0x0  }
0x6c: {  	s19 =	simm.s32 $0x0;
	[sflag:s15] =	ssyncadd.s32 $0xFFFFF800  }
.LBB2_5:
0x6d: {  	s20 =	sshra.s32 s19, $0x2  }
0x6e: {  	v0 =	vld [tilespmem:s20+$0x14800];
	_ =	sdelay $0x4  }
0x6f: {  	v1 =	vand.u32 $0x3FFF, v0;
	_ =	sdelay $0x3  }
0x70: {  	v2 =	vadd.s32 $0x2800, v1  }
0x71: {  	v3 =	vshrl.u32 v0, $0xE;
	v0 =	vand.u32 $0x7F, v0;
	v2 =	vand.u32 $0x7F80, v2;
	v4 =	vld.idx.msk [tilespmem:v1+s2+$0x0], $0xffff  }
0x72: {  	v2 =	vor.u32 v0, v2;
	_ =	sdelay $0x2  }
0x73: {  	v5 =	vadd.s32 $0x2800, v3  }
0x74: {  	v6 =	vand.u32 $0x7F, v3;
	v31 =	vadd.s32 $0x5000, v1;
	v30 =	vand.u32 $0x7FF80, v5;
	[tilespmem:v3+s11+$0x0] =	vst.idx.add.f32.msk $0xffff, v4  }
0x75: {  	v5 =	vand.u32 $0xFF80, v31;
	v4 =	vor.u32 v6, v30;
	v2 =	vld.idx.msk [tilespmem:v2+s2+$0x0], $0xffff  }
0x76: {  	v5 =	vor.u32 v0, v5;
	_ =	sdelay $0x2  }
0x77: {  	v7 =	vadd.s32 $0x5000, v3  }
0x78: {  	v32 =	vand.u32 $0x7FF80, v7;
	v1 =	vadd.s32 $0x7800, v1;
	[tilespmem:v4+s11+$0x0] =	vst.idx.add.f32.msk $0xffff, v2  }
0x79: {  	v1 =	vand.u32 $0xFF80, v1;
	v2 =	vor.u32 v6, v32;
	v4 =	vld.idx.msk [tilespmem:v5+s2+$0x0], $0xffff  }
0x7a: {  	v0 =	vor.u32 v0, v1;
	_ =	sdelay $0x2  }
0x7b: {  	v33 =	vadd.s32 $0x7800, v3  }
0x7c: {  	v1 =	vand.u32 $0x7FF80, v33;
	[tilespmem:v2+s11+$0x0] =	vst.idx.add.f32.msk $0xffff, v4  }
0x7d: {  	v1 =	vor.u32 v6, v1;
	v0 =	vld.idx.msk [tilespmem:v0+s2+$0x0], $0xffff;
	_ =	sdelay $0x4  }
0x7e: {  	[tilespmem:v1+s11+$0x0] =	vst.idx.add.f32.msk $0xffff, v0  }
0x7f: {  	v0 =	vld [tilespmem:s20+$0x14810];
	_ =	sdelay $0x4  }
0x80: {  	v34 =	vand.u32 $0x3FFF, v0;
	_ =	sdelay $0x3  }
0x81: {  	v35 =	vadd.s32 $0x2800, v34  }
0x82: {  	v36 =	vshrl.u32 v0, $0xE;
	v0 =	vand.u32 $0x7F, v0;
	v2 =	vand.u32 $0x7F80, v35;
	v4 =	vld.idx.msk [tilespmem:v34+s2+$0x0], $0xffff  }
0x83: {  	v2 =	vor.u32 v0, v2;
	_ =	sdelay $0x2  }
0x84: {  	v37 =	vadd.s32 $0x2800, v36  }
0x85: {  	v38 =	vand.u32 $0x7F, v36;
	v40 =	vadd.s32 $0x5000, v34;
	v39 =	vand.u32 $0x7FF80, v37;
	[tilespmem:v36+s11+$0x0] =	vst.idx.add.f32.msk $0xffff, v4  }
0x86: {  	v5 =	vand.u32 $0xFF80, v40;
	v4 =	vor.u32 v38, v39;
	v2 =	vld.idx.msk [tilespmem:v2+s2+$0x0], $0xffff  }
0x87: {  	v5 =	vor.u32 v0, v5;
	_ =	sdelay $0x2  }
0x88: {  	v41 =	vadd.s32 $0x5000, v36  }
0x89: {  	v1 =	vadd.s32 $0x7800, v34;
	v42 =	vand.u32 $0x7FF80, v41;
	[tilespmem:v4+s11+$0x0] =	vst.idx.add.f32.msk $0xffff, v2  }
0x8a: {  	v1 =	vand.u32 $0xFF80, v1;
	v2 =	vor.u32 v38, v42;
	v4 =	vld.idx.msk [tilespmem:v5+s2+$0x0], $0xffff  }
0x8b: {  	v0 =	vor.u32 v0, v1;
	_ =	sdelay $0x2  }
0x8c: {  	v43 =	vadd.s32 $0x7800, v36  }
0x8d: {  	v1 =	vand.u32 $0x7FF80, v43;
	[tilespmem:v2+s11+$0x0] =	vst.idx.add.f32.msk $0xffff, v4  }
0x8e: {  	v1 =	vor.u32 v38, v1;
	v0 =	vld.idx.msk [tilespmem:v0+s2+$0x0], $0xffff;
	_ =	sdelay $0x4  }
0x8f: {  	[tilespmem:v1+s11+$0x0] =	vst.idx.add.f32.msk $0xffff, v0  }
0x90: {  	v0 =	vld [tilespmem:s20+$0x14820];
	_ =	sdelay $0x4  }
0x91: {  	v44 =	vand.u32 $0x3FFF, v0;
	_ =	sdelay $0x3  }
0x92: {  	v45 =	vadd.s32 $0x2800, v44  }
0x93: {  	v46 =	vshrl.u32 v0, $0xE;
	v0 =	vand.u32 $0x7F, v0;
	v2 =	vand.u32 $0x7F80, v45;
	v4 =	vld.idx.msk [tilespmem:v44+s2+$0x0], $0xffff  }
0x94: {  	v2 =	vor.u32 v0, v2;
	_ =	sdelay $0x2  }
0x95: {  	v47 =	vadd.s32 $0x2800, v46  }
0x96: {  	v48 =	vand.u32 $0x7F, v46;
	v50 =	vadd.s32 $0x5000, v44;
	v49 =	vand.u32 $0x7FF80, v47;
	[tilespmem:v46+s11+$0x0] =	vst.idx.add.f32.msk $0xffff, v4  }
0x97: {  	v5 =	vand.u32 $0xFF80, v50;
	v4 =	vor.u32 v48, v49;
	v2 =	vld.idx.msk [tilespmem:v2+s2+$0x0], $0xffff  }
0x98: {  	v5 =	vor.u32 v0, v5;
	_ =	sdelay $0x2  }
0x99: {  	v51 =	vadd.s32 $0x5000, v46  }
0x9a: {  	v1 =	vadd.s32 $0x7800, v44;
	v52 =	vand.u32 $0x7FF80, v51;
	[tilespmem:v4+s11+$0x0] =	vst.idx.add.f32.msk $0xffff, v2  }
0x9b: {  	v1 =	vand.u32 $0xFF80, v1;
	v2 =	vor.u32 v48, v52;
	v4 =	vld.idx.msk [tilespmem:v5+s2+$0x0], $0xffff  }
0x9c: {  	v0 =	vor.u32 v0, v1;
	_ =	sdelay $0x2  }
0x9d: {  	v53 =	vadd.s32 $0x7800, v46  }
0x9e: {  	v1 =	vand.u32 $0x7FF80, v53;
	[tilespmem:v2+s11+$0x0] =	vst.idx.add.f32.msk $0xffff, v4  }
0x9f: {  	v1 =	vor.u32 v48, v1;
	v0 =	vld.idx.msk [tilespmem:v0+s2+$0x0], $0xffff;
	_ =	sdelay $0x4  }
0xa0: {  	[tilespmem:v1+s11+$0x0] =	vst.idx.add.f32.msk $0xffff, v0  }
0xa1: {  	v0 =	vld [tilespmem:s20+$0x14830];
	_ =	sdelay $0x4  }
0xa2: {  	v54 =	vand.u32 $0x3FFF, v0;
	_ =	sdelay $0x3  }
0xa3: {  	v55 =	vadd.s32 $0x2800, v54  }
0xa4: {  	v56 =	vshrl.u32 v0, $0xE;
	v0 =	vand.u32 $0x7F, v0;
	v2 =	vand.u32 $0x7F80, v55;
	v4 =	vld.idx.msk [tilespmem:v54+s2+$0x0], $0xffff  }
0xa5: {  	v2 =	vor.u32 v0, v2;
	_ =	sdelay $0x2  }
0xa6: {  	v57 =	vadd.s32 $0x2800, v56  }
0xa7: {  	v58 =	vand.u32 $0x7F, v56;
	v60 =	vadd.s32 $0x5000, v54;
	v59 =	vand.u32 $0x7FF80, v57;
	[tilespmem:v56+s11+$0x0] =	vst.idx.add.f32.msk $0xffff, v4  }
0xa8: {  	v5 =	vand.u32 $0xFF80, v60;
	v4 =	vor.u32 v58, v59;
	v2 =	vld.idx.msk [tilespmem:v2+s2+$0x0], $0xffff  }
0xa9: {  	v5 =	vor.u32 v0, v5;
	_ =	sdelay $0x2  }
0xaa: {  	v61 =	vadd.s32 $0x5000, v56  }
0xab: {  	v1 =	vadd.s32 $0x7800, v54;
	v62 =	vand.u32 $0x7FF80, v61;
	[tilespmem:v4+s11+$0x0] =	vst.idx.add.f32.msk $0xffff, v2  }
0xac: {  	v1 =	vand.u32 $0xFF80, v1;
	v2 =	vor.u32 v58, v62;
	v4 =	vld.idx.msk [tilespmem:v5+s2+$0x0], $0xffff  }
0xad: {  	v0 =	vor.u32 v0, v1;
	_ =	sdelay $0x2  }
0xae: {  	v63 =	vadd.s32 $0x7800, v56  }
0xaf: {  	v1 =	vand.u32 $0x7FF80, v63;
	[tilespmem:v2+s11+$0x0] =	vst.idx.add.f32.msk $0xffff, v4  }
0xb0: {  	p1 =	sne.s32 s19, $0x1F00;
	v1 =	vor.u32 v58, v1;
	v0 =	vld.idx.msk [tilespmem:v0+s2+$0x0], $0xffff  }
.Ltmp3:
0xb1: {  	_ = 	snop;
	(pc) =	sbr.rel @p1 .LBB2_5-.Ltmp3, $2  }
0xb2: {  	_ =	sdelay $0x2  }
0xb3: {  	s19 =	sadd.s32 $0x100, s19;
	[tilespmem:v1+s11+$0x0] =	vst.idx.add.f32.msk $0xffff, v0  }
.Ltmp4:
0xb4: {  	(pc) =	sbr.rel @p0 .LBB2_8-.Ltmp4, $1  }
0xb5: {  	_ =	sdelay $0x3  }
.Ltmp5:
0xb6: {  	(pc) =	sbr.rel .LBB2_2-.Ltmp5, $3  }
0xb7: {  	_ =	sdelay $0x1  }
0xb8: {  	s18 =	sadd.s32 s18, s7;
	s17 =	sadd.s32 $0x1, s17  }
0xb9: {  	[tilespmem:s13], [sflag:$0x2] =	stream.linear.gather [hbm4b:s18+s2], $0x800, $0x38;
	[tilespmem:$0x15000] =	vst v63  }
.LBB2_9:
0xba: {  	_ =	sfence.sel $0x180000  }
0xbb: {  	[bflag:$0x0] =	sbarrier.arrive $0xFFFF  }
0xbc: {  	p0 =	sne.s32 s0, $0x0;
	_ =	strace $0x9000004D  }
0xbd: {  	s0 =	sadd.s32 @!p0 $0x100000, s1;
	[bflag:$0x2] =	sbarrier.arrive $0xFFFF  }
0xbe: {  	[sflag:s0] =	ssyncadd.tile.s32 @!p0 $0x1;
	_ =	shalt  }
.Lfunc_end2:
_tile_overlayer_lowered:
.L_overlay_start_2:
0xbf: {  	(tag) =	ssettag $0x2  }
0xc0: {  	s0 =	rddreg [dreg:$0x0];
	s2 =	stileid.u32  }
0xc1: {  	s1 =	rddreg [dreg:$0x1];
	p0 =	sne.s32 s2, $0x0  }
0xc2: {  	s3 =	rddreg [dreg:$0x2];
	[bflag:$0x3] =	sbarrier.arrive $0xFFFF;
	s2 =	simm.s32 @!p0 $0x1C03  }
0xc3: {  	[timem:s3], [sflag:s2] =	dma.local @!p0 [hbm:s0], s1  }
0xc4: {  	s0 =	simm.s32 @!p0 $0x3  }
0xc5: {  	_ =	swait.ge @!p0 [sflag:s0], s1  }
0xc6: {  	s1 =	ssub.s32 @!p0 $0x0, s1;
	[sflag:s0] =	ssyncset.done @!p0 $0x0  }
0xc7: {  	[sflag:s0] =	ssyncadd.s32 @!p0 s1  }
0xc8: {  	[bflag:$0x3] =	sbarrier.arrive $0xFFFF  }
0xc9: {  	_ =	shalt  }

// kernel: kernel.8.cloned.1.call-start
scs
__scs_entry_jumppad:
0x0: {  	(pc) =	sbr.rel $0x88, $3  }
0x1: {  	(tag) =	ssettag $0x0;
	lr =	simm.s32 $0x1  }
0x2: {  	[smem:$0x3F98] =	sst lr;
	_ =	strace $0xD0000000  }
0x3: {  	_ = 	snop  }
0x4: {  	_ = 	snop  }
0x5: {  	_ = 	snop  }
0x6: {  	_ = 	snop  }
0x7: {  	_ = 	snop  }
__scs_overlays_trampoline_lowered:
0x8: {  	[smem:$0x3FA7] =	sst s0  }
0x9: {  	[smem:$0x3FA8] =	sst s1  }
0xa: {  	[smem:$0x3FA9] =	sst s2  }
0xb: {  	[smem:$0x3FAA] =	sst s3  }
0xc: {  	[smem:$0x3FAB] =	sst s4  }
0xd: {  	[smem:$0x3FAC] =	sst s5  }
0xe: {  	[smem:$0x3FAD] =	sst s6  }
0xf: {  	[smem:$0x3FAE] =	sst s7  }
0x10: {  	[smem:$0x3FAF] =	sst s8  }
0x11: {  	[smem:$0x3FB0] =	sst s9;
	s0 =	simm.s32 @!p0 $0x0  }
0x12: {  	s1 =	sld [smem:$0x3F96];
	s0 =	simm.s32 @p0 $0x1  }
0x13: {  	[smem:$0x3FB1] =	sst s0;
	s0 =	simm.s32 @!p1 $0x0  }
0x14: {  	s2 =	sld [smem:$0x3F95];
	s0 =	simm.s32 @p1 $0x1  }
0x15: {  	[smem:$0x3FB2] =	sst s0;
	s0 =	simm.s32 @!p2 $0x0  }
0x16: {  	s3 =	sld [smem:$0x3FDB];
	s0 =	simm.s32 @p2 $0x1  }
0x17: {  	s4 =	simm.s32 $0x1BF5;
	[smem:$0x3FB4] =	sst s0  }
0x18: {  	s0 =	sld [smem:$0x3F97];
	_ =	swait.ge [sflag:s4], $0x0  }
0x19: {  	s7 =	sld [smem:$0x3F98]  }
0x1a: {  	s8 =	sadd.s32 $0xFFFFE003, lr  }
0x1b: {  	s9 =	sadd.s32 $0xFFFFFEF7, lr;
	s5 =	simm.s32 $0xFFFFFFFF;
	p2 =	slt.u32 s8, $0xFFFFF086  }
0x1c: {  	p1 =	slt.u32 s9, $0xF7A;
	s5 =	simm.s32 @!p2 $0x0  }
0x1d: {  	s5 =	simm.s32 @p1 $0x1;
	p0 =	seq.s32 s7, s2  }
0x1e: {  	s7 =	smul.u32 @!p0 $0xF7A, s2;
	p2 =	seq.s32 @!p0 s5, $0x0  }
0x1f: {  	s9 =	smul.u32 $0xF7A, s1;
	s8 =	simm.s32 @!p0 $0x1BF5;
	p2 =	por !p2, p0  }
0x20: {  	[sflag:s8] =	ssyncset.s32 @!p0 $0xFFFFF086;
	s6 =	sadd.s32 @!p0 s3, s7;
	s7 =	simm.s32 @!p0 $0x108  }
0x21: {  	s3 =	sadd.s32 s3, s9;
	s6 =	sadd.s32 @!p0 $0x88, s6;
	s7 =	simm.s32 @p2 $0x1082  }
0x22: {  	[simem:s7], [sflag:s8] =	dma.local @!p0 [hbm:s6], $0xF7A  }
0x23: {  	s9 =	sor.u32 $0xD0000000, s2;
	s6 =	simm.s32 $0x108;
	_ =	swait.ge @!p0 [sflag:s8], $0x0  }
0x24: {  	s3 =	sadd.s32 $0x88, s3;
	s6 =	simm.s32 @!p1 $0x1082;
	[sflag:s4] =	ssyncset.s32 $0xFFFFF086  }
0x25: {  	[simem:s6], [sflag:s4] =	dma.local [hbm:s3], $0xF7A  }
0x26: {  	[smem:$0x3F98] =	sst s1;
	(tag) =	ssettag s2;
	_ =	strace s9  }
0x27: {  	s1 =	sld [smem:$0x3FA8]  }
0x28: {  	s2 =	sld [smem:$0x3FA9]  }
0x29: {  	s4 =	sld [smem:$0x3FAB]  }
0x2a: {  	p0 =	seq.s32 s5, $0x0;
	s5 =	sld [smem:$0x3FAC]  }
0x2b: {  	s6 =	sld [smem:$0x3FAD]  }
0x2c: {  	s7 =	sld [smem:$0x3FAE]  }
0x2d: {  	s3 =	simm.s32 $0x108;
	s8 =	sld [smem:$0x3FAF]  }
0x2e: {  	s3 =	simm.s32 @!p0 $0x1082;
	s9 =	sld [smem:$0x3FB0]  }
0x2f: {  	lr =	sadd.s32 s0, s3;
	s0 =	sld [smem:$0x3FA7]  }
0x30: {  	s3 =	sld [smem:$0x3FAA]  }
0x31: {  	[smem:$0x3FB3] =	sst s10  }
0x32: {  	s10 =	sld [smem:$0x3FB1];
	_ =	sdelay $0x3  }
0x33: {  	p0 =	seq.s32 s10, $0x1;
	s10 =	sld [smem:$0x3FB3];
	_ =	sdelay $0x3  }
0x34: {  	[smem:$0x3FB3] =	sst s10  }
0x35: {  	s10 =	sld [smem:$0x3FB2];
	_ =	sdelay $0x3  }
0x36: {  	p1 =	seq.s32 s10, $0x1;
	s10 =	sld [smem:$0x3FB3];
	_ =	sdelay $0x3  }
0x37: {  	[smem:$0x3FB3] =	sst s10  }
0x38: {  	s10 =	sld [smem:$0x3FB4]  }
0x39: {  	_ = 	snop;
	(pc) =	sbr.ind lr, $3  }
0x3a: {  	_ = 	snop  }
0x3b: {  	_ = 	snop  }
0x3c: {  	p2 =	seq.s32 s10, $0x1;
	s10 =	sld [smem:$0x3FB3]  }
0x3d: {  	_ =	shalt  }
0x3e: {  	_ =	shalt  }
0x3f: {  	_ =	shalt  }
0x40: {  	_ =	shalt  }
0x41: {  	_ =	shalt  }
0x42: {  	_ =	shalt  }
0x43: {  	_ =	shalt  }
0x44: {  	_ =	shalt  }
0x45: {  	_ =	shalt  }
0x46: {  	_ =	shalt  }
0x47: {  	_ =	shalt  }
0x48: {  	_ =	shalt  }
0x49: {  	_ =	shalt  }
0x4a: {  	_ =	shalt  }
0x4b: {  	_ =	shalt  }
0x4c: {  	_ =	shalt  }
0x4d: {  	_ =	shalt  }
0x4e: {  	_ =	shalt  }
0x4f: {  	_ =	shalt  }
0x50: {  	_ =	shalt  }
0x51: {  	_ =	shalt  }
0x52: {  	_ =	shalt  }
0x53: {  	_ =	shalt  }
0x54: {  	_ =	shalt  }
0x55: {  	_ =	shalt  }
0x56: {  	_ =	shalt  }
0x57: {  	_ =	shalt  }
0x58: {  	_ =	shalt  }
0x59: {  	_ =	shalt  }
0x5a: {  	_ =	shalt  }
0x5b: {  	_ =	shalt  }
0x5c: {  	_ =	shalt  }
0x5d: {  	_ =	shalt  }
0x5e: {  	_ =	shalt  }
0x5f: {  	_ =	shalt  }
0x60: {  	_ =	shalt  }
0x61: {  	_ =	shalt  }
0x62: {  	_ =	shalt  }
0x63: {  	_ =	shalt  }
0x64: {  	_ =	shalt  }
0x65: {  	_ =	shalt  }
0x66: {  	_ =	shalt  }
0x67: {  	_ =	shalt  }
0x68: {  	_ =	shalt  }
0x69: {  	_ =	shalt  }
0x6a: {  	_ =	shalt  }
0x6b: {  	_ =	shalt  }
0x6c: {  	_ =	shalt  }
0x6d: {  	_ =	shalt  }
0x6e: {  	_ =	shalt  }
0x6f: {  	_ =	shalt  }
0x70: {  	_ =	shalt  }
0x71: {  	_ =	shalt  }
0x72: {  	_ =	shalt  }
0x73: {  	_ =	shalt  }
0x74: {  	_ =	shalt  }
0x75: {  	_ =	shalt  }
0x76: {  	_ =	shalt  }
0x77: {  	_ =	shalt  }
0x78: {  	_ =	shalt  }
0x79: {  	_ =	shalt  }
0x7a: {  	_ =	shalt  }
0x7b: {  	_ =	shalt  }
0x7c: {  	_ =	shalt  }
0x7d: {  	_ =	shalt  }
0x7e: {  	_ =	shalt  }
0x7f: {  	_ =	shalt  }
0x80: {  	_ =	shalt  }
0x81: {  	_ =	shalt  }
0x82: {  	_ =	shalt  }
0x83: {  	_ =	shalt  }
0x84: {  	_ =	shalt  }
0x85: {  	_ =	shalt  }
0x86: {  	_ =	shalt  }
0x87: {  	_ =	shalt  }
.Lfunc_end0:
.L_simem_size_0:
called_computation_lowered:
.L_overlay_start_0:
0x88: {  	s2 =	sld [smem:$0x3FD9]  }
0x89: {  	s3 =	sld [smem:$0x3FFE];
	_ =	sdelay $0x1  }
0x8a: {  	s1 =	srdreg.scid  }
0x8b: {  	s0 =	sand.u32 $0x1, s1  }
0x8c: {  	s17 =	sshll.u32 s0, $0xA;
	s2 =	sadd.s32 s3, s2  }
0x8d: {  	s2 =	sadd.s32 s2, s17  }
0x8e: {  	[smem:$0x3FBF] =	sst s2  }
0x8f: {  	_ = 	snop  }
0x90: {  	s2 =	sld [smem:$0x3FD0];
	(tm) =	ssettm $0x1  }
0x91: {  	s18 =	sld [smem:$0x3FFB];
	_ =	sdelay $0x3  }
0x92: {  	_ =	strace s18  }
0x93: {  	s3 =	sld [smem:$0x3FFC];
	_ =	sdelay $0x3  }
0x94: {  	_ =	strace s3  }
0x95: {  	s3 =	sld [smem:$0x3FFD];
	_ =	sdelay $0x3  }
0x96: {  	_ =	strace s3  }
0x97: {  	_ =	strace $0x8FFFFFFF  }
0x98: {  	s19 =	sld [smem:$0x3FDB];
	_ =	sdelay $0x1  }
0x99: {  	s4 =	simm.s32 $_scs_section_size  }
0x9a: {  	s5 =	simm.s32 $_size__tile_overlayer_lowered;
	s6 =	simm.s32 $_tile_overlayer_lowered  }
0x9b: {  	s22 =	simm.s32 $0x1BFF;
	s21 =	sshll.u32 s6, $0x1;
	s3 =	sadd.s32 s4, s19  }
0x9c: {  	s7 =	simm.s32 $0x0;
	s20 =	sshll.u32 s5, $0x1;
	s5 =	sadd.s32 s21, s3  }
0x9d: {  	[timem:s7], [sflag:s22] =	dma.local [hbm:s5], s20  }
0x9e: {  	_ =	swait.ge [sflag:s22], s20  }
0x9f: {  	s4 =	ssub.s32 $0x0, s20;
	[sflag:s22] =	ssyncset.done $0x0  }
0xa0: {  	[sflag:s22] =	ssyncadd.s32 s4;
	_ =	sdelay $0x1  }
0xa1: {  	s23 =	simm.s32 $0x1B8B  }
0xa2: {  	_ =	swait.ge [sflag:s23], $0x1  }
0xa3: {  	[sflag:s23] =	ssyncset.done $0x0  }
0xa4: {  	s25 =	simm.s32 $0x1B8E;
	s24 =	sld [smem:$0x3FFE];
	[sflag:s23] =	ssyncadd.s32 $0xFFFFFFFF  }
0xa5: {  	s26 =	simm.s32 $execute0_lowered;
	[smem:$0x3FD2] =	sst s25  }
0xa6: {  	s5 =	sshll.u32 s26, $0x1;
	_ =	strace $0x80000046;
	[dreg:$0x1] =	wrdreg $0xFFFFFFFF  }
0xa7: {  	s28 =	simm.s32 $_size_execute0_lowered;
	s3 =	sadd.s32 s3, s5;
	[dreg:$0x0] =	wrdreg $0x0  }
0xa8: {  	s5 =	sshll.u32 s28, $0x1;
	[dreg:$0x2] =	wrdreg s3  }
0xa9: {  	[dreg:$0x3] =	wrdreg s5  }
0xaa: {  	[dreg:$0x4] =	wrdreg $0xC0  }
0xab: {  	_ =	task [dreg:s7], $0x5FFFF  }
0xac: {  	[dreg:$0x1] =	wrdreg $0xFFFFFFFF  }
0xad: {  	[dreg:$0x0] =	wrdreg $0x60  }
0xae: {  	[dreg:$0x2] =	wrdreg s24  }
0xaf: {  	[dreg:$0x3] =	wrdreg s2  }
0xb0: {  	[dreg:$0x4] =	wrdreg $0x28800  }
0xb1: {  	[dreg:$0x5] =	wrdreg $0x9  }
0xb2: {  	_ =	task.clear_ibuf [dreg:s7], $0x6FFFF;
	_ =	strace $0x90000046  }
0xb3: {  	s29 =	simm.s32 $0x9;
	_ =	strace $0x80000048  }
0xb4: {  	_ =	swait.ge [sflag:s29], $0x1  }
0xb5: {  	[sflag:s29] =	ssyncadd.s32 $0xFFFFFFFF  }
0xb6: {  	_ =	strace $0x90000048  }
0xb7: {  	_ =	sfence  }
0xb8: {  	s30 =	sld [smem:$0x0];
	_ =	sdelay $0x2  }
0xb9: {  	s31 =	sshll.u32 s1, $0xD;
	s1 =	sshrl.u32 s1, $0x2  }
0xba: {  	s3 =	sand.u32 $0x4000, s31;
	s1 =	sadd.s32 s1, s30  }
0xbb: {  	s0 =	sor.u32 s3, s0;
	s1 =	sshll.u32 s1, $0x11  }
0xbc: {  	s0 =	sor.u32 s1, s0  }
0xbd: {  	s0 =	sadd.s32 $0x8F2B, s0  }
0xbe: {  	[sflag:s0] =	ssyncadd.remote.s32 $0x1  }
0xbf: {  	_ =	sfence.sel $0xFFFF  }
0xc0: {  	[dreg:$0x0] =	wrdreg $0xFFFFFFFF;
	(pc) =	sbr.abs _section_cstart, $3  }
0xc1: {  	[dreg:$0x1] =	wrdreg $0xFFFFFFFF  }
0xc2: {  	_ =	task.clear_ibuf [dreg:s7], $0x2FFFF;
	_ =	strace $0x9FFFFFFF  }
0xc3: {  	(tm) =	ssettm $0x7FFFFFFF  }
tec
execute0_lowered:
.L_overlay_start_1:
0x0: {  	(tag) =	ssettag $0x1  }
0x1: {  	s7 =	rddreg [dreg:$0x0]  }
0x2: {  	s0 =	srdreg.scid;
	s2 =	rddreg [dreg:$0x1]  }
0x3: {  	s3 =	rddreg [dreg:$0x2];
	s1 =	stileid.u32  }
0x4: {  	s4 =	simm.s32 $0x0;
	s6 =	sand.u32 $0x1, s0;
	s0 =	rddreg [dreg:$0x3]  }
0x5: {  	s12 =	simm.s32 $0x16E00;
	s14 =	simm.s32 $0x0;
	[smem:$0x7FF] =	sst s4  }
0x6: {  	s11 =	smul.u32 $0x280, s1;
	s31 =	sshll.u32 s1, $0x6;
	s5 =	sshll.u32 s6, $0x4  }
0x7: {  	_ =	strace $0x80000047;
	s8 =	ssub.s32 $0x2, s6;
	p0 =	seq.s32 s6, $0x1  }
0x8: {  	s5 =	sor.u32 s1, s5;
	s10 =	sshrl.u32 s8, $0x1;
	s12 =	simm.s32 @!p0 $0x16800  }
0x9: {  	s13 =	sadd.s32 s11, s3;
	s29 =	sshrl.u32 s11, $0x3;
	s11 =	sor.u32 $0x1C01, s31  }
0xa: {  	s5 =	smul.u32 $0x500, s5;
	s8 =	ssub.s32 s8, s10;
	s30 =	sadd.s32 s12, s7  }
0xb: {  	s10 =	simm.s32 $0x2800;
	s12 =	sshrl.u32 s13, $0x3;
	s13 =	simm.s32 $0x80  }
0xc: {  	s9 =	sadd.s32 s5, s7;
	s5 =	sadd.s32 $0x16600, s7;
	s7 =	smax.u32 s8, $0x1  }
0xd: {  	s8 =	sadd.s32 s30, s29;
	s6 =	sadd.s32 $0x2600, s9;
	s9 =	simm.s32 $0x1  }
.LBB2_1:
0xe: {  	[tilespmem:s4], [sflag:$0x1] =	stream.linear.gather [hbm4b:s6+s4], $0x2800, $0x38;
	[tilespmem:$0x2B00] =	vst v63  }
0xf: {  	_ =	swait.ge [sflag:s9], $0x2800  }
0x10: {  	[sflag:s9] =	ssyncset.done $0x0  }
0x11: {  	[sflag:s9] =	ssyncadd.s32 $0xFFFFD800  }
0x12: {  	[tilespmem:s10], [sflag:$0x1] =	stream.linear.gather [hbm4b:s2+s4], $0x80, $0x38;
	[tilespmem:$0x2B00] =	vst v63  }
0x13: {  	_ =	swait.ge [sflag:s9], $0x80  }
0x14: {  	[sflag:s9] =	ssyncset.done $0x0  }
0x15: {  	[sflag:s9] =	ssyncadd.s32 $0xFFFFFF80  }
0x16: {  	[spmem:s12], [sflag:s11] =	dma.local [hbm:s5], $0x50  }
0x17: {  	_ =	swait.ge [sflag:s9], $0x50  }
0x18: {  	[sflag:s9] =	ssyncset.done $0x0  }
0x19: {  	[sflag:s9] =	ssyncadd.s32 $0xFFFFFFB0  }
0x1a: {  	s15 =	simm.s32 $0x0;
	[bflag:$0x0] =	sbarrier.arrive $0xFFFF  }
0x1b: {  	[spmem:s3] =	stream.indirect.scatter.add.f32 [tilespmem:s10], [sflag:$0x1], $0x1, s15, s13, $0xb8;
	[tilespmem:$0x2B00] =	vst v63  }
0x1c: {  	_ =	swait.ge [sflag:s9], $0x80  }
0x1d: {  	s15 =	simm.s32 $0x200;
	[sflag:s9] =	ssyncset.done $0x0  }
.LBB2_2:
0x1e: {  	s16 =	sshra.s32 s15, $0x2;
	[sflag:s9] =	ssyncadd.s32 $0xFFFFFF80;
	p0 =	sne.s32 s15, $0x9E00  }
0x1f: {  	[spmem:s3] =	stream.indirect.scatter.add.f32 [tilespmem:s10], [sflag:$0x1], $0x1, s16, s13, $0xb8;
	[tilespmem:$0x2B00] =	vst v63  }
.Ltmp0:
0x20: {  	_ = 	snop;
	(pc) =	sbr.rel @p0 .LBB2_2-.Ltmp0, $4  }
0x21: {  	_ = 	snop  }
0x22: {  	s15 =	sadd.s32 $0x200, s15  }
0x23: {  	_ =	swait.ge [sflag:s9], $0x80  }
0x24: {  	[sflag:s9] =	ssyncset.done $0x0  }
0x25: {  	s14 =	sadd.s32 $0x1, s14  }
0x26: {  	[sflag:s9] =	ssyncadd.s32 $0xFFFFFF80;
	p0 =	sne.s32 s14, s7  }
.Ltmp1:
0x27: {  	[bflag:$0x0] =	sbarrier.arrive $0xFFFF;
	(pc) =	sbr.rel @p0 .LBB2_1-.Ltmp1, $4  }
0x28: {  	[hbm:s8], [sflag:s11] =	dma.local [spmem:s12], $0x50  }
0x29: {  	_ =	swait.ge [sflag:s9], $0x50  }
0x2a: {  	[sflag:s9] =	ssyncset.done $0x0  }
0x2b: {  	[sflag:s9] =	ssyncadd.s32 $0xFFFFFFB0  }
0x2c: {  	_ =	sfence.sel $0x180000  }
0x2d: {  	[bflag:$0x0] =	sbarrier.arrive $0xFFFF  }
0x2e: {  	p0 =	sne.s32 s1, $0x0;
	_ =	strace $0x90000047  }
0x2f: {  	s0 =	sadd.s32 @!p0 $0x100000, s0;
	[bflag:$0x2] =	sbarrier.arrive $0xFFFF  }
0x30: {  	[sflag:s0] =	ssyncadd.tile.s32 @!p0 $0x1;
	_ =	shalt  }
.Lfunc_end2:
_tile_overlayer_lowered:
.L_overlay_start_2:
0x31: {  	(tag) =	ssettag $0x2  }
0x32: {  	s0 =	rddreg [dreg:$0x0];
	s2 =	stileid.u32  }
0x33: {  	s1 =	rddreg [dreg:$0x1];
	p0 =	sne.s32 s2, $0x0  }
0x34: {  	s3 =	rddreg [dreg:$0x2];
	[bflag:$0x3] =	sbarrier.arrive $0xFFFF;
	s2 =	simm.s32 @!p0 $0x1C01  }
0x35: {  	[timem:s3], [sflag:s2] =	dma.local @!p0 [hbm:s0], s1  }
0x36: {  	s0 =	simm.s32 @!p0 $0x1  }
0x37: {  	_ =	swait.ge @!p0 [sflag:s0], s1  }
0x38: {  	s1 =	ssub.s32 @!p0 $0x0, s1;
	[sflag:s0] =	ssyncset.done @!p0 $0x0  }
0x39: {  	[sflag:s0] =	ssyncadd.s32 @!p0 s1  }
0x3a: {  	[bflag:$0x3] =	sbarrier.arrive $0xFFFF  }
0x3b: {  	_ =	shalt  }

</sc_bundles>
